<compile_context>
chip_gen: v7x
topology: tpu7x:2x2x1
jax: 0.10.2.dev20260603
libtpu: 0.0.44.dev20260713+nightly
codegen_flags: <defaults>
</compile_context>

<pallas_src>
import functools

import jax
import jax.numpy as jnp
from jax import lax
from jax.experimental import pallas as pl
from jax.experimental.pallas import tpu as pltpu
from jax.experimental.pallas import tpu_sc as plsc

D_MODEL = 768
N_HEADS = 12
KEEP_RATIO = 0.33
ALPHA = 0.7
BLK = 2048


def _head_scores(mt, f):
    xx = f * f
    st = lax.dot_general(mt, xx, (((1,), (1,)), ((), ())),
                         precision=lax.Precision.HIGHEST)
    return jnp.sqrt(st[:N_HEADS])


def _stream_body(conf, x_ref, e_ref, mt_ref, *refs):
    tok_out, sc_out = refs[-2], refs[-1]
    f = x_ref[0] + e_ref[0:1, :]
    if conf != 1.0:
        f = f * conf
    tok_out[0] = f
    sc_out[0] = _head_scores(mt_ref[...], f)


def _fusion_body(fus_ref, mt_ref, tok_in, sc_in, tok_out, sc_out):
    del tok_in, sc_in
    f = fus_ref[0:1, :]
    tok_out[0] = jnp.broadcast_to(f, (8, f.shape[1]))
    sc = _head_scores(mt_ref[...], f)
    sc_out[0] = jnp.broadcast_to(sc, (N_HEADS, 128))


def _select_body(k, b, s_total, sc_ref, mask_ref):
    s = sc_ref[...]
    mean = jnp.mean(s, axis=1, keepdims=True)
    comb = ALPHA * s + (1.0 - ALPHA) * mean
    key = lax.bitcast_convert_type(comb, jnp.int32)

    def body(_, lohi):
        lo, hi = lohi
        mid = lo + (hi - lo) // 2
        cnt = jnp.sum((key >= mid).astype(jnp.int32), axis=2, keepdims=True)
        ge = cnt >= k
        return jnp.where(ge, mid, lo), jnp.where(ge, hi, mid)

    lo0 = jnp.zeros((b, N_HEADS, 1), jnp.int32)
    hi0 = jnp.full((b, N_HEADS, 1), jnp.int32(0x7FFFFFFF))
    v, _ = lax.fori_loop(0, 31, body, (lo0, hi0))

    gt = key > v
    n_gt = jnp.sum(gt.astype(jnp.int32), axis=2, keepdims=True)
    need = k - n_gt
    eq = key == v
    idx = lax.broadcasted_iota(jnp.int32, (b, N_HEADS, s_total), 2)

    def body2(_, lohi):
        lo2, hi2 = lohi
        mid = lo2 + (hi2 - lo2) // 2
        c = jnp.sum((eq & (idx < mid)).astype(jnp.int32), axis=2,
                    keepdims=True)
        ok = c >= need
        return jnp.where(ok, lo2, mid), jnp.where(ok, mid, hi2)

    p0 = jnp.zeros((b, N_HEADS, 1), jnp.int32)
    p1 = jnp.full((b, N_HEADS, 1), jnp.int32(s_total))
    _, p = lax.fori_loop(0, 15, body2, (p0, p1))

    mask_ref[...] = gt | (eq & (idx < p))


SP = 10256


def _sc_ts_body(tts, ats, vts, ts_out, ids_out, ids_v, tb1, tb2, vb,
                sv16, si16):
    c = lax.axis_index("c")
    s = lax.axis_index("s")
    wid = s * 2 + c

    @pl.when(wid < 12)
    def _():
        r = wid // 3
        seg = wid % 3

        @pl.when(seg == 0)
        def _():
            pltpu.sync_copy(tts.at[r], ts_out.at[r, pl.ds(0, 4096)])

        @pl.when(seg == 1)
        def _():
            pltpu.sync_copy(ats.at[r], ts_out.at[r, pl.ds(4096, 4096)])

        @pl.when(seg == 2)
        def _():
            pltpu.sync_copy(vts.at[r], ts_out.at[r, pl.ds(8192, 2048)])

    @pl.when(jnp.logical_and(wid >= 12, wid < 24))
    def _():
        w2 = wid - 12
        r = w2 // 3
        seg = w2 % 3
        val = seg + 1
        for i in range(32):
            ids_v[pl.ds(i * 16, 16)] = jnp.broadcast_to(val, (16,))
        base = jnp.where(seg == 0, 0, jnp.where(seg == 1, 4096, 8192))
        n_chunks = jnp.where(seg == 2, 4, 8)
        for j in range(8):
            @pl.when(j < n_chunks)
            def _():
                pltpu.sync_copy(
                    ids_v, ids_out.at[r, pl.ds(base + j * 512, 512)])

    @pl.when(wid == 24)
    def _():
        pltpu.sync_copy(tts, tb1)
        pltpu.sync_copy(ats, tb2)
        pltpu.sync_copy(vts, vb)
        m16 = jnp.broadcast_to(jnp.float32(-jnp.inf), (16,))

        def fold(buf, row):
            def body(i, m):
                return jnp.maximum(m, buf[row, pl.ds(i * 16, 16)])
            return body

        for row in range(4):
            m16 = lax.fori_loop(0, 256, fold(tb1, row), m16)
            m16 = lax.fori_loop(0, 256, fold(tb2, row), m16)
            m16 = lax.fori_loop(0, 128, fold(vb, row), m16)
        lanes = lax.iota(jnp.int32, 16)
        for dist in (1, 2, 4, 8):
            perm = lanes ^ dist
            shuf = m16.at[perm].get(mode=lax.GatherScatterMode.PROMISE_IN_BOUNDS)
            m16 = jnp.maximum(m16, shuf)
        sv16[...] = m16 + 1.0
        si16[...] = jnp.broadcast_to(5, (16,))
        for row in range(4):
            pltpu.sync_copy(sv16, ts_out.at[row, pl.ds(10240, 16)])
            pltpu.sync_copy(si16, ids_out.at[row, pl.ds(10240, 16)])


def _ts_body(st_len, sa_len, sv_len, tts, ats, vts, out_ts, out_ids):
    b = tts.shape[0]
    s_total = st_len + sa_len + sv_len + 1
    m = jnp.maximum(jnp.max(tts[...]),
                    jnp.maximum(jnp.max(ats[...]), jnp.max(vts[...])))
    out_ts[:, 0:st_len] = tts[...]
    out_ts[:, st_len:st_len + sa_len] = ats[...]
    out_ts[:, st_len + sa_len:st_len + sa_len + sv_len] = vts[...]
    out_ts[:, s_total - 1:s_total] = jnp.full((b, 1), m + 1.0)
    pos = lax.broadcasted_iota(jnp.int32, (b, s_total), 1)
    out_ids[...] = jnp.where(
        pos < st_len, 1,
        jnp.where(pos < st_len + sa_len, 2,
                  jnp.where(pos < s_total - 1, 3, 5)))


def _stream_call(body, b, n_blocks, row_off, s_total, d, first=False):
    any_spec = pl.BlockSpec(memory_space=pl.ANY)
    in_specs = [
        pl.BlockSpec((1, BLK, d), lambda bi, j: (bi, j, 0)),
        pl.BlockSpec((8, d), lambda bi, j: (0, 0)),
        pl.BlockSpec((16, d), lambda bi, j: (0, 0)),
    ]
    if not first:
        in_specs += [any_spec, any_spec]
    return pl.pallas_call(
        body,
        grid=(b, n_blocks),
        in_specs=in_specs,
        out_specs=[
            pl.BlockSpec((1, BLK, d),
                         lambda bi, j, o=row_off: (bi, o + j, 0)),
            pl.BlockSpec((1, N_HEADS, BLK),
                         lambda bi, j, o=row_off: (bi, 0, o + j)),
        ],
        out_shape=[
            jax.ShapeDtypeStruct((b, s_total, d), jnp.float32),
            jax.ShapeDtypeStruct((b, N_HEADS, s_total), jnp.float32),
        ],
        input_output_aliases={} if first else {3: 0, 4: 1},
    )


def kernel(text_features, text_timestamps, audio_features, audio_timestamps,
           video_features, video_timestamps, mod_emb, fusion_token):
    B, st_len, d = text_features.shape
    sa_len = audio_features.shape[1]
    sv_len = video_features.shape[1]
    s_total = st_len + sa_len + sv_len + 1
    nt, na, nv = st_len // BLK, sa_len // BLK, sv_len // BLK
    k = max(1, int(KEEP_RATIO * s_total))

    sc_ts = functools.partial(
        pl.kernel,
        out_type=[
            jax.ShapeDtypeStruct((B, SP), jnp.float32),
            jax.ShapeDtypeStruct((B, SP), jnp.int32),
        ],
        mesh=plsc.VectorSubcoreMesh(core_axis_name="c", subcore_axis_name="s"),
        scratch_types=[
            pltpu.VMEM((512,), jnp.int32),
            pltpu.VMEM((4, 4096), jnp.float32),
            pltpu.VMEM((4, 4096), jnp.float32),
            pltpu.VMEM((4, 2048), jnp.float32),
            pltpu.VMEM((16,), jnp.float32),
            pltpu.VMEM((16,), jnp.int32),
        ],
    )(_sc_ts_body)
    ts_p, ids_p = sc_ts(text_timestamps, audio_timestamps, video_timestamps)

    e_text = jnp.pad(mod_emb[1:2], ((0, 7), (0, 0)))
    e_audio = jnp.pad(mod_emb[2:3], ((0, 7), (0, 0)))
    e_video = jnp.pad(mod_emb[3:4], ((0, 7), (0, 0)))
    fus2 = jnp.pad(fusion_token.reshape(1, d), ((0, 7), (0, 0)))
    mt = jnp.pad(
        (jnp.arange(d)[None, :] // (d // N_HEADS)
         == jnp.arange(N_HEADS)[:, None]).astype(jnp.float32),
        ((0, 4), (0, 0)))

    tok, sc = _stream_call(functools.partial(_stream_body, 1.0),
                           B, nt, 0, s_total, d, first=True)(
        text_features, e_text, mt)
    tok, sc = _stream_call(functools.partial(_stream_body, 0.9),
                           B, na, nt, s_total, d)(
        audio_features, e_audio, mt, tok, sc)
    tok, sc = _stream_call(functools.partial(_stream_body, 0.8),
                           B, nv, nt + na, s_total, d)(
        video_features, e_video, mt, tok, sc)

    any_spec = pl.BlockSpec(memory_space=pl.ANY)
    fuse_row = s_total - 1
    tok, sc = pl.pallas_call(
        _fusion_body,
        grid=(B,),
        in_specs=[
            pl.BlockSpec((8, d), lambda bi: (0, 0)),
            pl.BlockSpec((16, d), lambda bi: (0, 0)),
            any_spec,
            any_spec,
        ],
        out_specs=[
            pl.BlockSpec((1, 8, d), lambda bi: (bi, fuse_row // 8, 0)),
            pl.BlockSpec((1, N_HEADS, 128), lambda bi: (bi, 0, fuse_row // 128)),
        ],
        out_shape=[
            jax.ShapeDtypeStruct((B, s_total, d), jnp.float32),
            jax.ShapeDtypeStruct((B, N_HEADS, s_total), jnp.float32),
        ],
        input_output_aliases={2: 0, 3: 1},
    )(fus2, mt, tok, sc)

    mask = pl.pallas_call(
        functools.partial(_select_body, k, B, s_total),
        out_shape=jax.ShapeDtypeStruct((B, N_HEADS, s_total), jnp.bool_),
    )(sc)

    fused_ts = ts_p[:, :s_total]
    fused_ids = ids_p[:, :s_total]

    return tok, fused_ids, fused_ts, mask

# --- scband reference (transcript-rebuilt; emitter-appended) ---
"""Pipeline reference for scband-multi-modal-fuser-26250840113235 (READ-ONLY COPY).

The authoritative reference and input builder live on the scoring server;
editing this copy changes nothing except your own understanding.
"""

import jax, jax.numpy as jnp
import numpy as np

D_MODEL = 768
N_HEADS = 12
KEEP_RATIO = 0.33
ALPHA = 0.7
CONF = {'text': 1.0, 'audio': 0.9, 'video': 0.8}
MOD_ID = {'text': 1, 'audio': 2, 'video': 3}
FUSE_ID = 5


def setup_inputs(seed: int = 0) -> dict:
    key = jax.random.key(seed)
    ks = jax.random.split(key, 8)
    B = 4
    return {
        'text_features': jax.random.normal(ks[0], (B, 4096, D_MODEL), dtype=jnp.float32),
        'text_timestamps': jax.random.uniform(ks[1], (B, 4096), dtype=jnp.float32),
        'audio_features': jax.random.normal(ks[2], (B, 4096, D_MODEL), dtype=jnp.float32),
        'audio_timestamps': jax.random.uniform(ks[3], (B, 4096), dtype=jnp.float32),
        'video_features': jax.random.normal(ks[4], (B, 2048, D_MODEL), dtype=jnp.float32),
        'video_timestamps': jax.random.uniform(ks[5], (B, 2048), dtype=jnp.float32),
        'mod_emb': jax.random.normal(ks[6], (10, D_MODEL), dtype=jnp.float32) * 0.02,
        'fusion_token': jax.random.normal(ks[7], (D_MODEL,), dtype=jnp.float32),
    }


def _tls_select_landmarks(tokens, n_heads):
    # TLS landmark selection (per-head): score = alpha * per-head L2 norm + (1-alpha) * head-mean norm;
    # keep top keep_ratio fraction of tokens per head.
    B, S, D = tokens.shape
    dh = D // n_heads
    h = tokens.reshape(B, S, n_heads, dh)
    score_h = jnp.sqrt(jnp.sum(h * h, axis=-1))          # [B, S, H]
    score_h = jnp.transpose(score_h, (0, 2, 1))          # [B, H, S]
    mean_score = jnp.mean(score_h, axis=1, keepdims=True)  # [B, 1, S]
    combined = ALPHA * score_h + (1.0 - ALPHA) * mean_score  # [B, H, S]
    k = max(1, int(KEEP_RATIO * S))
    _, idx = jax.lax.top_k(combined, k)                  # [B, H, k]
    b = jnp.arange(B)[:, None, None]
    hh = jnp.arange(n_heads)[None, :, None]
    mask = jnp.zeros((B, n_heads, S), dtype=bool).at[b, hh, idx].set(True)
    return mask


def reference(text_features, text_timestamps, audio_features, audio_timestamps,
              video_features, video_timestamps, mod_emb, fusion_token):
    B = text_features.shape[0]
    streams = [('text', text_features, text_timestamps),
               ('audio', audio_features, audio_timestamps),
               ('video', video_features, video_timestamps)]
    packed_tokens = []
    packed_mod_ids = []
    packed_ts = []
    for name, feat, ts in streams:
        mid = MOD_ID[name]
        f = feat + mod_emb[mid][None, None, :]
        c = CONF[name]
        if c < 1.0:
            f = f * c
        packed_tokens.append(f)
        packed_mod_ids.append(jnp.full((B, f.shape[1]), mid, dtype=jnp.int32))
        packed_ts.append(ts)
    fusion_tokens = jnp.broadcast_to(fusion_token[None, None, :], (B, 1, D_MODEL))
    packed_tokens.append(fusion_tokens)
    packed_mod_ids.append(jnp.full((B, 1), FUSE_ID, dtype=jnp.int32))
    max_ts = jnp.max(jnp.stack([jnp.max(t) for t in packed_ts]))
    packed_ts.append(jnp.broadcast_to(max_ts + 1.0, (B, 1)))
    fused_tokens = jnp.concatenate(packed_tokens, axis=1)
    fused_mod_ids = jnp.concatenate(packed_mod_ids, axis=1)
    fused_ts = jnp.concatenate(packed_ts, axis=1)
    landmark_mask = _tls_select_landmarks(fused_tokens, N_HEADS)
    return fused_tokens, fused_mod_ids, fused_ts, landmark_mask

if __name__ == "__main__":
    import jax
    _d = setup_inputs()
    print(jax.jit(kernel)(*tuple(_d.values())))

</pallas_src>

<mosaic_0001>
#map = affine_map<(d0, d1) -> (0, 0)>
module attributes {stable_mosaic.version = 14 : i64} {
  func.func @_sc_ts_body(%arg0: i32, %arg1: i32, %arg2: memref<4x4096xf32, #tpu.memory_space<hbm>>, %arg3: memref<4x4096xf32, #tpu.memory_space<hbm>>, %arg4: memref<4x2048xf32, #tpu.memory_space<hbm>>, %arg5: memref<4x10256xf32, #tpu.memory_space<hbm>>, %arg6: memref<4x10256xi32, #tpu.memory_space<hbm>>, %arg7: memref<512xi32, #tpu.memory_space<vmem>>, %arg8: memref<4x4096xf32, #tpu.memory_space<vmem>>, %arg9: memref<4x4096xf32, #tpu.memory_space<vmem>>, %arg10: memref<4x2048xf32, #tpu.memory_space<vmem>>, %arg11: memref<16xf32, #tpu.memory_space<vmem>>, %arg12: memref<16xi32, #tpu.memory_space<vmem>>) attributes {dimension_semantics = [#tpu.dimension_semantics<core_parallel>, #tpu.dimension_semantics<subcore_parallel>], iteration_bounds = array<i64: 2, 16>, scalar_prefetch = 0 : i64, scratch_operands = 6 : i64, tpu.core_type = #tpu.core_type<sc_vector_subcore>, window_params = [{transform_indices = #map}, {transform_indices = #map}, {transform_indices = #map}, {transform_indices = #map}, {transform_indices = #map}]} {
    %mul3A = arith.constant 2 : i32
    %mul3A_0 = arith.muli %arg1, %mul3A : i32
    %add3A = arith.addi %mul3A_0, %arg0 : i32
    %lt3A = arith.constant 12 : i32
    %lt3A_1 = arith.cmpi slt, %add3A, %lt3A : i32
    %convert_element_type3A = arith.extui %lt3A_1 : i1 to i32
    %cond3A = arith.constant 0 : i32
    %cond3A_2 = arith.cmpi ne, %convert_element_type3A, %cond3A : i32
    scf.if %cond3A_2 {
      %jit3A = arith.constant 3 : i32
      %div3A = arith.divsi %add3A, %jit3A : i32
      %sign3A = arith.constant 0 : i32
      %sign3A_13 = arith.cmpi sgt, %add3A, %sign3A : i32
      %sign3A_14 = arith.extui %sign3A_13 : i1 to i32
      %sign3A_15 = arith.constant 0 : i32
      %sign3A_16 = arith.cmpi slt, %add3A, %sign3A_15 : i32
      %sign3A_17 = arith.extui %sign3A_16 : i1 to i32
      %sign3A_18 = arith.subi %sign3A_14, %sign3A_17 : i32
      %sign3A_19 = arith.constant 0 : i32
      %sign3A_20 = arith.cmpi sgt, %jit3A, %sign3A_19 : i32
      %sign3A_21 = arith.extui %sign3A_20 : i1 to i32
      %sign3A_22 = arith.constant 0 : i32
      %sign3A_23 = arith.cmpi slt, %jit3A, %sign3A_22 : i32
      %sign3A_24 = arith.extui %sign3A_23 : i1 to i32
      %sign3A_25 = arith.subi %sign3A_21, %sign3A_24 : i32
      %ne3A = arith.cmpi ne, %sign3A_18, %sign3A_25 : i32
      %rem3A = arith.remsi %add3A, %jit3A : i32
      %ne3A_26 = arith.constant 0 : i32
      %ne3A_27 = arith.cmpi ne, %rem3A, %ne3A_26 : i32
      %and3A_28 = arith.andi %ne3A, %ne3A_27 : i1
      %sub3A = arith.constant 1 : i32
      %sub3A_29 = arith.subi %div3A, %sub3A : i32
      %select_n3A = arith.select %and3A_28, %sub3A_29, %div3A : i32
      %jit3A_30 = arith.constant 3 : i32
      %eq3A_31 = arith.constant 0 : i32
      %eq3A_32 = arith.cmpi eq, %jit3A_30, %eq3A_31 : i32
      %jit3A_33 = arith.constant 1 : i32
      %select_n3A_34 = arith.select %eq3A_32, %jit3A_33, %jit3A_30 : i32
      %rem3A_35 = arith.remsi %add3A, %select_n3A_34 : i32
      %ne3A_36 = arith.constant 0 : i32
      %ne3A_37 = arith.cmpi ne, %rem3A_35, %ne3A_36 : i32
      %lt3A_38 = arith.constant 0 : i32
      %lt3A_39 = arith.cmpi slt, %rem3A_35, %lt3A_38 : i32
      %lt3A_40 = arith.constant 0 : i32
      %lt3A_41 = arith.cmpi slt, %select_n3A_34, %lt3A_40 : i32
      %ne3A_42 = arith.xori %lt3A_39, %lt3A_41 : i1
      %and3A_43 = arith.andi %ne3A_42, %ne3A_37 : i1
      %add3A_44 = arith.addi %rem3A_35, %select_n3A_34 : i32
      %select_n3A_45 = arith.select %and3A_43, %add3A_44, %rem3A_35 : i32
      %eq3A_46 = arith.constant 0 : i32
      %eq3A_47 = arith.cmpi eq, %select_n3A_45, %eq3A_46 : i32
      %convert_element_type3A_48 = arith.extui %eq3A_47 : i1 to i32
      %cond3A_49 = arith.constant 0 : i32
      %cond3A_50 = arith.cmpi ne, %convert_element_type3A_48, %cond3A_49 : i32
      scf.if %cond3A_50 {
        "tpu.region"() ({
          %run_scoped3A = tpu.sem_alloc : memref<!tpu.dma_semaphore, #tpu.memory_space<semaphore_mem>>
          %dma_start3A = arith.constant 0 : i32
          %dma_start3A_61 = tpu.memref_slice %arg5[%select_n3A, %dma_start3A] : memref<4x10256xf32, #tpu.memory_space<hbm>> -> memref<1x4096xf32, #tpu.memory_space<hbm>>
          %dma_start3A_62 = tpu.memref_squeeze %dma_start3A_61 : memref<1x4096xf32, #tpu.memory_space<hbm>> -> memref<4096xf32, #tpu.memory_space<hbm>>
          %dma_start3A_63 = arith.constant 0 : i32
          %dma_start3A_64 = tpu.memref_slice %arg2[%select_n3A, %dma_start3A_63] : memref<4x4096xf32, #tpu.memory_space<hbm>> -> memref<1x4096xf32, #tpu.memory_space<hbm>>
          %dma_start3A_65 = tpu.memref_squeeze %dma_start3A_64 : memref<1x4096xf32, #tpu.memory_space<hbm>> -> memref<4096xf32, #tpu.memory_space<hbm>>
          tpu.enqueue_dma source(%dma_start3A_65 : memref<4096xf32, #tpu.memory_space<hbm>>) target(%dma_start3A_62 : memref<4096xf32, #tpu.memory_space<hbm>>) target_semaphore(%run_scoped3A : memref<!tpu.dma_semaphore, #tpu.memory_space<semaphore_mem>>)
          %dma_wait3A = arith.constant 0 : i32
          %dma_wait3A_66 = tpu.memref_slice %arg5[%select_n3A, %dma_wait3A] : memref<4x10256xf32, #tpu.memory_space<hbm>> -> memref<1x4096xf32, #tpu.memory_space<hbm>>
          %dma_wait3A_67 = tpu.memref_squeeze %dma_wait3A_66 : memref<1x4096xf32, #tpu.memory_space<hbm>> -> memref<4096xf32, #tpu.memory_space<hbm>>
          %dma_wait3A_68 = arith.constant 0 : i32
          %dma_wait3A_69 = tpu.memref_slice %arg2[%select_n3A, %dma_wait3A_68] : memref<4x4096xf32, #tpu.memory_space<hbm>> -> memref<1x4096xf32, #tpu.memory_space<hbm>>
          %dma_wait3A_70 = tpu.memref_squeeze %dma_wait3A_69 : memref<1x4096xf32, #tpu.memory_space<hbm>> -> memref<4096xf32, #tpu.memory_space<hbm>>
          tpu.wait_dma2 semaphore(%run_scoped3A : memref<!tpu.dma_semaphore, #tpu.memory_space<semaphore_mem>>) src(%dma_wait3A_70 : memref<4096xf32, #tpu.memory_space<hbm>>) dst(%dma_wait3A_67 : memref<4096xf32, #tpu.memory_space<hbm>>)
          tpu.yield
        }) : () -> ()
      } else {
      }
      %eq3A_51 = arith.constant 1 : i32
      %eq3A_52 = arith.cmpi eq, %select_n3A_45, %eq3A_51 : i32
      %convert_element_type3A_53 = arith.extui %eq3A_52 : i1 to i32
      %cond3A_54 = arith.constant 0 : i32
      %cond3A_55 = arith.cmpi ne, %convert_element_type3A_53, %cond3A_54 : i32
      scf.if %cond3A_55 {
        "tpu.region"() ({
          %run_scoped3A = tpu.sem_alloc : memref<!tpu.dma_semaphore, #tpu.memory_space<semaphore_mem>>
          %dma_start3A = arith.constant 4096 : i32
          %dma_start3A_61 = tpu.memref_slice %arg5[%select_n3A, %dma_start3A] : memref<4x10256xf32, #tpu.memory_space<hbm>> -> memref<1x4096xf32, #tpu.memory_space<hbm>>
          %dma_start3A_62 = tpu.memref_squeeze %dma_start3A_61 : memref<1x4096xf32, #tpu.memory_space<hbm>> -> memref<4096xf32, #tpu.memory_space<hbm>>
          %dma_start3A_63 = arith.constant 0 : i32
          %dma_start3A_64 = tpu.memref_slice %arg3[%select_n3A, %dma_start3A_63] : memref<4x4096xf32, #tpu.memory_space<hbm>> -> memref<1x4096xf32, #tpu.memory_space<hbm>>
          %dma_start3A_65 = tpu.memref_squeeze %dma_start3A_64 : memref<1x4096xf32, #tpu.memory_space<hbm>> -> memref<4096xf32, #tpu.memory_space<hbm>>
          tpu.enqueue_dma source(%dma_start3A_65 : memref<4096xf32, #tpu.memory_space<hbm>>) target(%dma_start3A_62 : memref<4096xf32, #tpu.memory_space<hbm>>) target_semaphore(%run_scoped3A : memref<!tpu.dma_semaphore, #tpu.memory_space<semaphore_mem>>)
          %dma_wait3A = arith.constant 4096 : i32
          %dma_wait3A_66 = tpu.memref_slice %arg5[%select_n3A, %dma_wait3A] : memref<4x10256xf32, #tpu.memory_space<hbm>> -> memref<1x4096xf32, #tpu.memory_space<hbm>>
          %dma_wait3A_67 = tpu.memref_squeeze %dma_wait3A_66 : memref<1x4096xf32, #tpu.memory_space<hbm>> -> memref<4096xf32, #tpu.memory_space<hbm>>
          %dma_wait3A_68 = arith.constant 0 : i32
          %dma_wait3A_69 = tpu.memref_slice %arg3[%select_n3A, %dma_wait3A_68] : memref<4x4096xf32, #tpu.memory_space<hbm>> -> memref<1x4096xf32, #tpu.memory_space<hbm>>
          %dma_wait3A_70 = tpu.memref_squeeze %dma_wait3A_69 : memref<1x4096xf32, #tpu.memory_space<hbm>> -> memref<4096xf32, #tpu.memory_space<hbm>>
          tpu.wait_dma2 semaphore(%run_scoped3A : memref<!tpu.dma_semaphore, #tpu.memory_space<semaphore_mem>>) src(%dma_wait3A_70 : memref<4096xf32, #tpu.memory_space<hbm>>) dst(%dma_wait3A_67 : memref<4096xf32, #tpu.memory_space<hbm>>)
          tpu.yield
        }) : () -> ()
      } else {
      }
      %eq3A_56 = arith.constant 2 : i32
      %eq3A_57 = arith.cmpi eq, %select_n3A_45, %eq3A_56 : i32
      %convert_element_type3A_58 = arith.extui %eq3A_57 : i1 to i32
      %cond3A_59 = arith.constant 0 : i32
      %cond3A_60 = arith.cmpi ne, %convert_element_type3A_58, %cond3A_59 : i32
      scf.if %cond3A_60 {
        "tpu.region"() ({
          %run_scoped3A = tpu.sem_alloc : memref<!tpu.dma_semaphore, #tpu.memory_space<semaphore_mem>>
          %dma_start3A = arith.constant 8192 : i32
          %dma_start3A_61 = tpu.memref_slice %arg5[%select_n3A, %dma_start3A] : memref<4x10256xf32, #tpu.memory_space<hbm>> -> memref<1x2048xf32, #tpu.memory_space<hbm>>
          %dma_start3A_62 = tpu.memref_squeeze %dma_start3A_61 : memref<1x2048xf32, #tpu.memory_space<hbm>> -> memref<2048xf32, #tpu.memory_space<hbm>>
          %dma_start3A_63 = arith.constant 0 : i32
          %dma_start3A_64 = tpu.memref_slice %arg4[%select_n3A, %dma_start3A_63] : memref<4x2048xf32, #tpu.memory_space<hbm>> -> memref<1x2048xf32, #tpu.memory_space<hbm>>
          %dma_start3A_65 = tpu.memref_squeeze %dma_start3A_64 : memref<1x2048xf32, #tpu.memory_space<hbm>> -> memref<2048xf32, #tpu.memory_space<hbm>>
          tpu.enqueue_dma source(%dma_start3A_65 : memref<2048xf32, #tpu.memory_space<hbm>>) target(%dma_start3A_62 : memref<2048xf32, #tpu.memory_space<hbm>>) target_semaphore(%run_scoped3A : memref<!tpu.dma_semaphore, #tpu.memory_space<semaphore_mem>>)
          %dma_wait3A = arith.constant 8192 : i32
          %dma_wait3A_66 = tpu.memref_slice %arg5[%select_n3A, %dma_wait3A] : memref<4x10256xf32, #tpu.memory_space<hbm>> -> memref<1x2048xf32, #tpu.memory_space<hbm>>
          %dma_wait3A_67 = tpu.memref_squeeze %dma_wait3A_66 : memref<1x2048xf32, #tpu.memory_space<hbm>> -> memref<2048xf32, #tpu.memory_space<hbm>>
          %dma_wait3A_68 = arith.constant 0 : i32
          %dma_wait3A_69 = tpu.memref_slice %arg4[%select_n3A, %dma_wait3A_68] : memref<4x2048xf32, #tpu.memory_space<hbm>> -> memref<1x2048xf32, #tpu.memory_space<hbm>>
          %dma_wait3A_70 = tpu.memref_squeeze %dma_wait3A_69 : memref<1x2048xf32, #tpu.memory_space<hbm>> -> memref<2048xf32, #tpu.memory_space<hbm>>
          tpu.wait_dma2 semaphore(%run_scoped3A : memref<!tpu.dma_semaphore, #tpu.memory_space<semaphore_mem>>) src(%dma_wait3A_70 : memref<2048xf32, #tpu.memory_space<hbm>>) dst(%dma_wait3A_67 : memref<2048xf32, #tpu.memory_space<hbm>>)
          tpu.yield
        }) : () -> ()
      } else {
      }
    } else {
    }
    %ge3A = arith.constant 12 : i32
    %ge3A_3 = arith.cmpi sge, %add3A, %ge3A : i32
    %lt3A_4 = arith.constant 24 : i32
    %lt3A_5 = arith.cmpi slt, %add3A, %lt3A_4 : i32
    %and3A = arith.andi %ge3A_3, %lt3A_5 : i1
    %convert_element_type3A_6 = arith.extui %and3A : i1 to i32
    %cond3A_7 = arith.constant 0 : i32
    %cond3A_8 = arith.cmpi ne, %convert_element_type3A_6, %cond3A_7 : i32
    scf.if %cond3A_8 {
      %sub3A = arith.constant 12 : i32
      %sub3A_13 = arith.subi %add3A, %sub3A : i32
      %jit3A = arith.constant 3 : i32
      %div3A = arith.divsi %sub3A_13, %jit3A : i32
      %sign3A = arith.constant 0 : i32
      %sign3A_14 = arith.cmpi sgt, %sub3A_13, %sign3A : i32
      %sign3A_15 = arith.extui %sign3A_14 : i1 to i32
      %sign3A_16 = arith.constant 0 : i32
      %sign3A_17 = arith.cmpi slt, %sub3A_13, %sign3A_16 : i32
      %sign3A_18 = arith.extui %sign3A_17 : i1 to i32
      %sign3A_19 = arith.subi %sign3A_15, %sign3A_18 : i32
      %sign3A_20 = arith.constant 0 : i32
      %sign3A_21 = arith.cmpi sgt, %jit3A, %sign3A_20 : i32
      %sign3A_22 = arith.extui %sign3A_21 : i1 to i32
      %sign3A_23 = arith.constant 0 : i32
      %sign3A_24 = arith.cmpi slt, %jit3A, %sign3A_23 : i32
      %sign3A_25 = arith.extui %sign3A_24 : i1 to i32
      %sign3A_26 = arith.subi %sign3A_22, %sign3A_25 : i32
      %ne3A = arith.cmpi ne, %sign3A_19, %sign3A_26 : i32
      %rem3A = arith.remsi %sub3A_13, %jit3A : i32
      %ne3A_27 = arith.constant 0 : i32
      %ne3A_28 = arith.cmpi ne, %rem3A, %ne3A_27 : i32
      %and3A_29 = arith.andi %ne3A, %ne3A_28 : i1
      %sub3A_30 = arith.constant 1 : i32
      %sub3A_31 = arith.subi %div3A, %sub3A_30 : i32
      %select_n3A = arith.select %and3A_29, %sub3A_31, %div3A : i32
      %jit3A_32 = arith.constant 3 : i32
      %eq3A_33 = arith.constant 0 : i32
      %eq3A_34 = arith.cmpi eq, %jit3A_32, %eq3A_33 : i32
      %jit3A_35 = arith.constant 1 : i32
      %select_n3A_36 = arith.select %eq3A_34, %jit3A_35, %jit3A_32 : i32
      %rem3A_37 = arith.remsi %sub3A_13, %select_n3A_36 : i32
      %ne3A_38 = arith.constant 0 : i32
      %ne3A_39 = arith.cmpi ne, %rem3A_37, %ne3A_38 : i32
      %lt3A_40 = arith.constant 0 : i32
      %lt3A_41 = arith.cmpi slt, %rem3A_37, %lt3A_40 : i32
      %lt3A_42 = arith.constant 0 : i32
      %lt3A_43 = arith.cmpi slt, %select_n3A_36, %lt3A_42 : i32
      %ne3A_44 = arith.xori %lt3A_41, %lt3A_43 : i1
      %and3A_45 = arith.andi %ne3A_44, %ne3A_39 : i1
      %add3A_46 = arith.addi %rem3A_37, %select_n3A_36 : i32
      %select_n3A_47 = arith.select %and3A_45, %add3A_46, %rem3A_37 : i32
      %add3A_48 = arith.constant 1 : i32
      %add3A_49 = arith.addi %select_n3A_47, %add3A_48 : i32
      %broadcast_in_dim3A = vector.broadcast %add3A_49 : i32 to vector<16xi32>
      %swap3A = arith.constant 0 : index
      %swap3A_50 = tpu.vector_load %arg7[%swap3A] {strides = array<i32>} : memref<512xi32, #tpu.memory_space<vmem>>, vector<16xi32>,
      %swap3A_51 = vector.shape_cast %swap3A_50 : vector<16xi32> to vector<16xi32>
      %swap3A_52 = vector.shape_cast %broadcast_in_dim3A : vector<16xi32> to vector<16xi32>
      tpu.vector_store %arg7[%swap3A], %swap3A_52 {strides = array<i32>} : memref<512xi32, #tpu.memory_space<vmem>>, vector<16xi32>,
      %broadcast_in_dim3A_53 = vector.broadcast %add3A_49 : i32 to vector<16xi32>
      %swap3A_54 = arith.constant 16 : index
      %swap3A_55 = tpu.vector_load %arg7[%swap3A_54] {strides = array<i32>} : memref<512xi32, #tpu.memory_space<vmem>>, vector<16xi32>,
      %swap3A_56 = vector.shape_cast %swap3A_55 : vector<16xi32> to vector<16xi32>
      %swap3A_57 = vector.shape_cast %broadcast_in_dim3A_53 : vector<16xi32> to vector<16xi32>
      tpu.vector_store %arg7[%swap3A_54], %swap3A_57 {strides = array<i32>} : memref<512xi32, #tpu.memory_space<vmem>>, vector<16xi32>,
      %broadcast_in_dim3A_58 = vector.broadcast %add3A_49 : i32 to vector<16xi32>
      %swap3A_59 = arith.constant 32 : index
      %swap3A_60 = tpu.vector_load %arg7[%swap3A_59] {strides = array<i32>} : memref<512xi32, #tpu.memory_space<vmem>>, vector<16xi32>,
      %swap3A_61 = vector.shape_cast %swap3A_60 : vector<16xi32> to vector<16xi32>
      %swap3A_62 = vector.shape_cast %broadcast_in_dim3A_58 : vector<16xi32> to vector<16xi32>
      tpu.vector_store %arg7[%swap3A_59], %swap3A_62 {strides = array<i32>} : memref<512xi32, #tpu.memory_space<vmem>>, vector<16xi32>,
      %broadcast_in_dim3A_63 = vector.broadcast %add3A_49 : i32 to vector<16xi32>
      %swap3A_64 = arith.constant 48 : index
      %swap3A_65 = tpu.vector_load %arg7[%swap3A_64] {strides = array<i32>} : memref<512xi32, #tpu.memory_space<vmem>>, vector<16xi32>,
      %swap3A_66 = vector.shape_cast %swap3A_65 : vector<16xi32> to vector<16xi32>
      %swap3A_67 = vector.shape_cast %broadcast_in_dim3A_63 : vector<16xi32> to vector<16xi32>
      tpu.vector_store %arg7[%swap3A_64], %swap3A_67 {strides = array<i32>} : memref<512xi32, #tpu.memory_space<vmem>>, vector<16xi32>,
      %broadcast_in_dim3A_68 = vector.broadcast %add3A_49 : i32 to vector<16xi32>
      %swap3A_69 = arith.constant 64 : index
      %swap3A_70 = tpu.vector_load %arg7[%swap3A_69] {strides = array<i32>} : memref<512xi32, #tpu.memory_space<vmem>>, vector<16xi32>,
      %swap3A_71 = vector.shape_cast %swap3A_70 : vector<16xi32> to vector<16xi32>
      %swap3A_72 = vector.shape_cast %broadcast_in_dim3A_68 : vector<16xi32> to vector<16xi32>
      tpu.vector_store %arg7[%swap3A_69], %swap3A_72 {strides = array<i32>} : memref<512xi32, #tpu.memory_space<vmem>>, vector<16xi32>,
      %broadcast_in_dim3A_73 = vector.broadcast %add3A_49 : i32 to vector<16xi32>
      %swap3A_74 = arith.constant 80 : index
      %swap3A_75 = tpu.vector_load %arg7[%swap3A_74] {strides = array<i32>} : memref<512xi32, #tpu.memory_space<vmem>>, vector<16xi32>,
      %swap3A_76 = vector.shape_cast %swap3A_75 : vector<16xi32> to vector<16xi32>
      %swap3A_77 = vector.shape_cast %broadcast_in_dim3A_73 : vector<16xi32> to vector<16xi32>
      tpu.vector_store %arg7[%swap3A_74], %swap3A_77 {strides = array<i32>} : memref<512xi32, #tpu.memory_space<vmem>>, vector<16xi32>,
      %broadcast_in_dim3A_78 = vector.broadcast %add3A_49 : i32 to vector<16xi32>
      %swap3A_79 = arith.constant 96 : index
      %swap3A_80 = tpu.vector_load %arg7[%swap3A_79] {strides = array<i32>} : memref<512xi32, #tpu.memory_space<vmem>>, vector<16xi32>,
      %swap3A_81 = vector.shape_cast %swap3A_80 : vector<16xi32> to vector<16xi32>
      %swap3A_82 = vector.shape_cast %broadcast_in_dim3A_78 : vector<16xi32> to vector<16xi32>
      tpu.vector_store %arg7[%swap3A_79], %swap3A_82 {strides = array<i32>} : memref<512xi32, #tpu.memory_space<vmem>>, vector<16xi32>,
      %broadcast_in_dim3A_83 = vector.broadcast %add3A_49 : i32 to vector<16xi32>
      %swap3A_84 = arith.constant 112 : index
      %swap3A_85 = tpu.vector_load %arg7[%swap3A_84] {strides = array<i32>} : memref<512xi32, #tpu.memory_space<vmem>>, vector<16xi32>,
      %swap3A_86 = vector.shape_cast %swap3A_85 : vector<16xi32> to vector<16xi32>
      %swap3A_87 = vector.shape_cast %broadcast_in_dim3A_83 : vector<16xi32> to vector<16xi32>
      tpu.vector_store %arg7[%swap3A_84], %swap3A_87 {strides = array<i32>} : memref<512xi32, #tpu.memory_space<vmem>>, vector<16xi32>,
      %broadcast_in_dim3A_88 = vector.broadcast %add3A_49 : i32 to vector<16xi32>
      %swap3A_89 = arith.constant 128 : index
      %swap3A_90 = tpu.vector_load %arg7[%swap3A_89] {strides = array<i32>} : memref<512xi32, #tpu.memory_space<vmem>>, vector<16xi32>,
      %swap3A_91 = vector.shape_cast %swap3A_90 : vector<16xi32> to vector<16xi32>
      %swap3A_92 = vector.shape_cast %broadcast_in_dim3A_88 : vector<16xi32> to vector<16xi32>
      tpu.vector_store %arg7[%swap3A_89], %swap3A_92 {strides = array<i32>} : memref<512xi32, #tpu.memory_space<vmem>>, vector<16xi32>,
      %broadcast_in_dim3A_93 = vector.broadcast %add3A_49 : i32 to vector<16xi32>
      %swap3A_94 = arith.constant 144 : index
      %swap3A_95 = tpu.vector_load %arg7[%swap3A_94] {strides = array<i32>} : memref<512xi32, #tpu.memory_space<vmem>>, vector<16xi32>,
      %swap3A_96 = vector.shape_cast %swap3A_95 : vector<16xi32> to vector<16xi32>
      %swap3A_97 = vector.shape_cast %broadcast_in_dim3A_93 : vector<16xi32> to vector<16xi32>
      tpu.vector_store %arg7[%swap3A_94], %swap3A_97 {strides = array<i32>} : memref<512xi32, #tpu.memory_space<vmem>>, vector<16xi32>,
      %broadcast_in_dim3A_98 = vector.broadcast %add3A_49 : i32 to vector<16xi32>
      %swap3A_99 = arith.constant 160 : index
      %swap3A_100 = tpu.vector_load %arg7[%swap3A_99] {strides = array<i32>} : memref<512xi32, #tpu.memory_space<vmem>>, vector<16xi32>,
      %swap3A_101 = vector.shape_cast %swap3A_100 : vector<16xi32> to vector<16xi32>
      %swap3A_102 = vector.shape_cast %broadcast_in_dim3A_98 : vector<16xi32> to vector<16xi32>
      tpu.vector_store %arg7[%swap3A_99], %swap3A_102 {strides = array<i32>} : memref<512xi32, #tpu.memory_space<vmem>>, vector<16xi32>,
      %broadcast_in_dim3A_103 = vector.broadcast %add3A_49 : i32 to vector<16xi32>
      %swap3A_104 = arith.constant 176 : index
      %swap3A_105 = tpu.vector_load %arg7[%swap3A_104] {strides = array<i32>} : memref<512xi32, #tpu.memory_space<vmem>>, vector<16xi32>,
      %swap3A_106 = vector.shape_cast %swap3A_105 : vector<16xi32> to vector<16xi32>
      %swap3A_107 = vector.shape_cast %broadcast_in_dim3A_103 : vector<16xi32> to vector<16xi32>
      tpu.vector_store %arg7[%swap3A_104], %swap3A_107 {strides = array<i32>} : memref<512xi32, #tpu.memory_space<vmem>>, vector<16xi32>,
      %broadcast_in_dim3A_108 = vector.broadcast %add3A_49 : i32 to vector<16xi32>
      %swap3A_109 = arith.constant 192 : index
      %swap3A_110 = tpu.vector_load %arg7[%swap3A_109] {strides = array<i32>} : memref<512xi32, #tpu.memory_space<vmem>>, vector<16xi32>,
      %swap3A_111 = vector.shape_cast %swap3A_110 : vector<16xi32> to vector<16xi32>
      %swap3A_112 = vector.shape_cast %broadcast_in_dim3A_108 : vector<16xi32> to vector<16xi32>
      tpu.vector_store %arg7[%swap3A_109], %swap3A_112 {strides = array<i32>} : memref<512xi32, #tpu.memory_space<vmem>>, vector<16xi32>,
      %broadcast_in_dim3A_113 = vector.broadcast %add3A_49 : i32 to vector<16xi32>
      %swap3A_114 = arith.constant 208 : index
      %swap3A_115 = tpu.vector_load %arg7[%swap3A_114] {strides = array<i32>} : memref<512xi32, #tpu.memory_space<vmem>>, vector<16xi32>,
      %swap3A_116 = vector.shape_cast %swap3A_115 : vector<16xi32> to vector<16xi32>
      %swap3A_117 = vector.shape_cast %broadcast_in_dim3A_113 : vector<16xi32> to vector<16xi32>
      tpu.vector_store %arg7[%swap3A_114], %swap3A_117 {strides = array<i32>} : memref<512xi32, #tpu.memory_space<vmem>>, vector<16xi32>,
      %broadcast_in_dim3A_118 = vector.broadcast %add3A_49 : i32 to vector<16xi32>
      %swap3A_119 = arith.constant 224 : index
      %swap3A_120 = tpu.vector_load %arg7[%swap3A_119] {strides = array<i32>} : memref<512xi32, #tpu.memory_space<vmem>>, vector<16xi32>,
      %swap3A_121 = vector.shape_cast %swap3A_120 : vector<16xi32> to vector<16xi32>
      %swap3A_122 = vector.shape_cast %broadcast_in_dim3A_118 : vector<16xi32> to vector<16xi32>
      tpu.vector_store %arg7[%swap3A_119], %swap3A_122 {strides = array<i32>} : memref<512xi32, #tpu.memory_space<vmem>>, vector<16xi32>,
      %broadcast_in_dim3A_123 = vector.broadcast %add3A_49 : i32 to vector<16xi32>
      %swap3A_124 = arith.constant 240 : index
      %swap3A_125 = tpu.vector_load %arg7[%swap3A_124] {strides = array<i32>} : memref<512xi32, #tpu.memory_space<vmem>>, vector<16xi32>,
      %swap3A_126 = vector.shape_cast %swap3A_125 : vector<16xi32> to vector<16xi32>
      %swap3A_127 = vector.shape_cast %broadcast_in_dim3A_123 : vector<16xi32> to vector<16xi32>
      tpu.vector_store %arg7[%swap3A_124], %swap3A_127 {strides = array<i32>} : memref<512xi32, #tpu.memory_space<vmem>>, vector<16xi32>,
      %broadcast_in_dim3A_128 = vector.broadcast %add3A_49 : i32 to vector<16xi32>
      %swap3A_129 = arith.constant 256 : index
      %swap3A_130 = tpu.vector_load %arg7[%swap3A_129] {strides = array<i32>} : memref<512xi32, #tpu.memory_space<vmem>>, vector<16xi32>,
      %swap3A_131 = vector.shape_cast %swap3A_130 : vector<16xi32> to vector<16xi32>
      %swap3A_132 = vector.shape_cast %broadcast_in_dim3A_128 : vector<16xi32> to vector<16xi32>
      tpu.vector_store %arg7[%swap3A_129], %swap3A_132 {strides = array<i32>} : memref<512xi32, #tpu.memory_space<vmem>>, vector<16xi32>,
      %broadcast_in_dim3A_133 = vector.broadcast %add3A_49 : i32 to vector<16xi32>
      %swap3A_134 = arith.constant 272 : index
      %swap3A_135 = tpu.vector_load %arg7[%swap3A_134] {strides = array<i32>} : memref<512xi32, #tpu.memory_space<vmem>>, vector<16xi32>,
      %swap3A_136 = vector.shape_cast %swap3A_135 : vector<16xi32> to vector<16xi32>
      %swap3A_137 = vector.shape_cast %broadcast_in_dim3A_133 : vector<16xi32> to vector<16xi32>
      tpu.vector_store %arg7[%swap3A_134], %swap3A_137 {strides = array<i32>} : memref<512xi32, #tpu.memory_space<vmem>>, vector<16xi32>,
      %broadcast_in_dim3A_138 = vector.broadcast %add3A_49 : i32 to vector<16xi32>
      %swap3A_139 = arith.constant 288 : index
      %swap3A_140 = tpu.vector_load %arg7[%swap3A_139] {strides = array<i32>} : memref<512xi32, #tpu.memory_space<vmem>>, vector<16xi32>,
      %swap3A_141 = vector.shape_cast %swap3A_140 : vector<16xi32> to vector<16xi32>
      %swap3A_142 = vector.shape_cast %broadcast_in_dim3A_138 : vector<16xi32> to vector<16xi32>
      tpu.vector_store %arg7[%swap3A_139], %swap3A_142 {strides = array<i32>} : memref<512xi32, #tpu.memory_space<vmem>>, vector<16xi32>,
      %broadcast_in_dim3A_143 = vector.broadcast %add3A_49 : i32 to vector<16xi32>
      %swap3A_144 = arith.constant 304 : index
      %swap3A_145 = tpu.vector_load %arg7[%swap3A_144] {strides = array<i32>} : memref<512xi32, #tpu.memory_space<vmem>>, vector<16xi32>,
      %swap3A_146 = vector.shape_cast %swap3A_145 : vector<16xi32> to vector<16xi32>
      %swap3A_147 = vector.shape_cast %broadcast_in_dim3A_143 : vector<16xi32> to vector<16xi32>
      tpu.vector_store %arg7[%swap3A_144], %swap3A_147 {strides = array<i32>} : memref<512xi32, #tpu.memory_space<vmem>>, vector<16xi32>,
      %broadcast_in_dim3A_148 = vector.broadcast %add3A_49 : i32 to vector<16xi32>
      %swap3A_149 = arith.constant 320 : index
      %swap3A_150 = tpu.vector_load %arg7[%swap3A_149] {strides = array<i32>} : memref<512xi32, #tpu.memory_space<vmem>>, vector<16xi32>,
      %swap3A_151 = vector.shape_cast %swap3A_150 : vector<16xi32> to vector<16xi32>
      %swap3A_152 = vector.shape_cast %broadcast_in_dim3A_148 : vector<16xi32> to vector<16xi32>
      tpu.vector_store %arg7[%swap3A_149], %swap3A_152 {strides = array<i32>} : memref<512xi32, #tpu.memory_space<vmem>>, vector<16xi32>,
      %broadcast_in_dim3A_153 = vector.broadcast %add3A_49 : i32 to vector<16xi32>
      %swap3A_154 = arith.constant 336 : index
      %swap3A_155 = tpu.vector_load %arg7[%swap3A_154] {strides = array<i32>} : memref<512xi32, #tpu.memory_space<vmem>>, vector<16xi32>,
      %swap3A_156 = vector.shape_cast %swap3A_155 : vector<16xi32> to vector<16xi32>
      %swap3A_157 = vector.shape_cast %broadcast_in_dim3A_153 : vector<16xi32> to vector<16xi32>
      tpu.vector_store %arg7[%swap3A_154], %swap3A_157 {strides = array<i32>} : memref<512xi32, #tpu.memory_space<vmem>>, vector<16xi32>,
      %broadcast_in_dim3A_158 = vector.broadcast %add3A_49 : i32 to vector<16xi32>
      %swap3A_159 = arith.constant 352 : index
      %swap3A_160 = tpu.vector_load %arg7[%swap3A_159] {strides = array<i32>} : memref<512xi32, #tpu.memory_space<vmem>>, vector<16xi32>,
      %swap3A_161 = vector.shape_cast %swap3A_160 : vector<16xi32> to vector<16xi32>
      %swap3A_162 = vector.shape_cast %broadcast_in_dim3A_158 : vector<16xi32> to vector<16xi32>
      tpu.vector_store %arg7[%swap3A_159], %swap3A_162 {strides = array<i32>} : memref<512xi32, #tpu.memory_space<vmem>>, vector<16xi32>,
      %broadcast_in_dim3A_163 = vector.broadcast %add3A_49 : i32 to vector<16xi32>
      %swap3A_164 = arith.constant 368 : index
      %swap3A_165 = tpu.vector_load %arg7[%swap3A_164] {strides = array<i32>} : memref<512xi32, #tpu.memory_space<vmem>>, vector<16xi32>,
      %swap3A_166 = vector.shape_cast %swap3A_165 : vector<16xi32> to vector<16xi32>
      %swap3A_167 = vector.shape_cast %broadcast_in_dim3A_163 : vector<16xi32> to vector<16xi32>
      tpu.vector_store %arg7[%swap3A_164], %swap3A_167 {strides = array<i32>} : memref<512xi32, #tpu.memory_space<vmem>>, vector<16xi32>,
      %broadcast_in_dim3A_168 = vector.broadcast %add3A_49 : i32 to vector<16xi32>
      %swap3A_169 = arith.constant 384 : index
      %swap3A_170 = tpu.vector_load %arg7[%swap3A_169] {strides = array<i32>} : memref<512xi32, #tpu.memory_space<vmem>>, vector<16xi32>,
      %swap3A_171 = vector.shape_cast %swap3A_170 : vector<16xi32> to vector<16xi32>
      %swap3A_172 = vector.shape_cast %broadcast_in_dim3A_168 : vector<16xi32> to vector<16xi32>
      tpu.vector_store %arg7[%swap3A_169], %swap3A_172 {strides = array<i32>} : memref<512xi32, #tpu.memory_space<vmem>>, vector<16xi32>,
      %broadcast_in_dim3A_173 = vector.broadcast %add3A_49 : i32 to vector<16xi32>
      %swap3A_174 = arith.constant 400 : index
      %swap3A_175 = tpu.vector_load %arg7[%swap3A_174] {strides = array<i32>} : memref<512xi32, #tpu.memory_space<vmem>>, vector<16xi32>,
      %swap3A_176 = vector.shape_cast %swap3A_175 : vector<16xi32> to vector<16xi32>
      %swap3A_177 = vector.shape_cast %broadcast_in_dim3A_173 : vector<16xi32> to vector<16xi32>
      tpu.vector_store %arg7[%swap3A_174], %swap3A_177 {strides = array<i32>} : memref<512xi32, #tpu.memory_space<vmem>>, vector<16xi32>,
      %broadcast_in_dim3A_178 = vector.broadcast %add3A_49 : i32 to vector<16xi32>
      %swap3A_179 = arith.constant 416 : index
      %swap3A_180 = tpu.vector_load %arg7[%swap3A_179] {strides = array<i32>} : memref<512xi32, #tpu.memory_space<vmem>>, vector<16xi32>,
      %swap3A_181 = vector.shape_cast %swap3A_180 : vector<16xi32> to vector<16xi32>
      %swap3A_182 = vector.shape_cast %broadcast_in_dim3A_178 : vector<16xi32> to vector<16xi32>
      tpu.vector_store %arg7[%swap3A_179], %swap3A_182 {strides = array<i32>} : memref<512xi32, #tpu.memory_space<vmem>>, vector<16xi32>,
      %broadcast_in_dim3A_183 = vector.broadcast %add3A_49 : i32 to vector<16xi32>
      %swap3A_184 = arith.constant 432 : index
      %swap3A_185 = tpu.vector_load %arg7[%swap3A_184] {strides = array<i32>} : memref<512xi32, #tpu.memory_space<vmem>>, vector<16xi32>,
      %swap3A_186 = vector.shape_cast %swap3A_185 : vector<16xi32> to vector<16xi32>
      %swap3A_187 = vector.shape_cast %broadcast_in_dim3A_183 : vector<16xi32> to vector<16xi32>
      tpu.vector_store %arg7[%swap3A_184], %swap3A_187 {strides = array<i32>} : memref<512xi32, #tpu.memory_space<vmem>>, vector<16xi32>,
      %broadcast_in_dim3A_188 = vector.broadcast %add3A_49 : i32 to vector<16xi32>
      %swap3A_189 = arith.constant 448 : index
      %swap3A_190 = tpu.vector_load %arg7[%swap3A_189] {strides = array<i32>} : memref<512xi32, #tpu.memory_space<vmem>>, vector<16xi32>,
      %swap3A_191 = vector.shape_cast %swap3A_190 : vector<16xi32> to vector<16xi32>
      %swap3A_192 = vector.shape_cast %broadcast_in_dim3A_188 : vector<16xi32> to vector<16xi32>
      tpu.vector_store %arg7[%swap3A_189], %swap3A_192 {strides = array<i32>} : memref<512xi32, #tpu.memory_space<vmem>>, vector<16xi32>,
      %broadcast_in_dim3A_193 = vector.broadcast %add3A_49 : i32 to vector<16xi32>
      %swap3A_194 = arith.constant 464 : index
      %swap3A_195 = tpu.vector_load %arg7[%swap3A_194] {strides = array<i32>} : memref<512xi32, #tpu.memory_space<vmem>>, vector<16xi32>,
      %swap3A_196 = vector.shape_cast %swap3A_195 : vector<16xi32> to vector<16xi32>
      %swap3A_197 = vector.shape_cast %broadcast_in_dim3A_193 : vector<16xi32> to vector<16xi32>
      tpu.vector_store %arg7[%swap3A_194], %swap3A_197 {strides = array<i32>} : memref<512xi32, #tpu.memory_space<vmem>>, vector<16xi32>,
      %broadcast_in_dim3A_198 = vector.broadcast %add3A_49 : i32 to vector<16xi32>
      %swap3A_199 = arith.constant 480 : index
      %swap3A_200 = tpu.vector_load %arg7[%swap3A_199] {strides = array<i32>} : memref<512xi32, #tpu.memory_space<vmem>>, vector<16xi32>,
      %swap3A_201 = vector.shape_cast %swap3A_200 : vector<16xi32> to vector<16xi32>
      %swap3A_202 = vector.shape_cast %broadcast_in_dim3A_198 : vector<16xi32> to vector<16xi32>
      tpu.vector_store %arg7[%swap3A_199], %swap3A_202 {strides = array<i32>} : memref<512xi32, #tpu.memory_space<vmem>>, vector<16xi32>,
      %broadcast_in_dim3A_203 = vector.broadcast %add3A_49 : i32 to vector<16xi32>
      %swap3A_204 = arith.constant 496 : index
      %swap3A_205 = tpu.vector_load %arg7[%swap3A_204] {strides = array<i32>} : memref<512xi32, #tpu.memory_space<vmem>>, vector<16xi32>,
      %swap3A_206 = vector.shape_cast %swap3A_205 : vector<16xi32> to vector<16xi32>
      %swap3A_207 = vector.shape_cast %broadcast_in_dim3A_203 : vector<16xi32> to vector<16xi32>
      tpu.vector_store %arg7[%swap3A_204], %swap3A_207 {strides = array<i32>} : memref<512xi32, #tpu.memory_space<vmem>>, vector<16xi32>,
      %eq3A_208 = arith.constant 0 : i32
      %eq3A_209 = arith.cmpi eq, %select_n3A_47, %eq3A_208 : i32
      %eq3A_210 = arith.constant 1 : i32
      %eq3A_211 = arith.cmpi eq, %select_n3A_47, %eq3A_210 : i32
      %jit3A_212 = arith.constant 4096 : i32
      %jit3A_213 = arith.constant 8192 : i32
      %select_n3A_214 = arith.select %eq3A_211, %jit3A_212, %jit3A_213 : i32
      %jit3A_215 = arith.constant 0 : i32
      %select_n3A_216 = arith.select %eq3A_209, %jit3A_215, %select_n3A_214 : i32
      %eq3A_217 = arith.constant 2 : i32
      %eq3A_218 = arith.cmpi eq, %select_n3A_47, %eq3A_217 : i32
      %jit3A_219 = arith.constant 4 : i32
      %jit3A_220 = arith.constant 8 : i32
      %select_n3A_221 = arith.select %eq3A_218, %jit3A_219, %jit3A_220 : i32
      %gt3A = arith.constant 0 : i32
      %gt3A_222 = arith.cmpi sgt, %select_n3A_221, %gt3A : i32
      %convert_element_type3A_223 = arith.extui %gt3A_222 : i1 to i32
      %cond3A_224 = arith.constant 0 : i32
      %cond3A_225 = arith.cmpi ne, %convert_element_type3A_223, %cond3A_224 : i32
      scf.if %cond3A_225 {
        %add3A_261 = arith.constant 0 : i32
        %add3A_262 = arith.addi %select_n3A_216, %add3A_261 : i32
        "tpu.region"() ({
          %run_scoped3A = tpu.sem_alloc : memref<!tpu.dma_semaphore, #tpu.memory_space<semaphore_mem>>
          %dma_start3A = tpu.memref_slice %arg6[%select_n3A, %add3A_262] : memref<4x10256xi32, #tpu.memory_space<hbm>> -> memref<1x512xi32, #tpu.memory_space<hbm>>
          %dma_start3A_263 = tpu.memref_squeeze %dma_start3A : memref<1x512xi32, #tpu.memory_space<hbm>> -> memref<512xi32, #tpu.memory_space<hbm>>
          %dma_start3A_264 = tpu.memref_slice %arg6[%select_n3A, %add3A_262] : memref<4x10256xi32, #tpu.memory_space<hbm>> -> memref<1x512xi32, #tpu.memory_space<hbm>>
          %dma_start3A_265 = tpu.memref_squeeze %dma_start3A_264 : memref<1x512xi32, #tpu.memory_space<hbm>> -> memref<512xi32, #tpu.memory_space<hbm>>
          tpu.enqueue_dma source(%arg7 : memref<512xi32, #tpu.memory_space<vmem>>) target(%dma_start3A_265 : memref<512xi32, #tpu.memory_space<hbm>>) target_semaphore(%run_scoped3A : memref<!tpu.dma_semaphore, #tpu.memory_space<semaphore_mem>>)
          %dma_wait3A = tpu.memref_slice %arg6[%select_n3A, %add3A_262] : memref<4x10256xi32, #tpu.memory_space<hbm>> -> memref<1x512xi32, #tpu.memory_space<hbm>>
          %dma_wait3A_266 = tpu.memref_squeeze %dma_wait3A : memref<1x512xi32, #tpu.memory_space<hbm>> -> memref<512xi32, #tpu.memory_space<hbm>>
          %dma_wait3A_267 = tpu.memref_slice %arg6[%select_n3A, %add3A_262] : memref<4x10256xi32, #tpu.memory_space<hbm>> -> memref<1x512xi32, #tpu.memory_space<hbm>>
          %dma_wait3A_268 = tpu.memref_squeeze %dma_wait3A_267 : memref<1x512xi32, #tpu.memory_space<hbm>> -> memref<512xi32, #tpu.memory_space<hbm>>
          tpu.wait_dma2 semaphore(%run_scoped3A : memref<!tpu.dma_semaphore, #tpu.memory_space<semaphore_mem>>) src(%arg7 : memref<512xi32, #tpu.memory_space<vmem>>) dst(%dma_wait3A_268 : memref<512xi32, #tpu.memory_space<hbm>>)
          tpu.yield
        }) : () -> ()
      } else {
      }
      %gt3A_226 = arith.constant 1 : i32
      %gt3A_227 = arith.cmpi sgt, %select_n3A_221, %gt3A_226 : i32
      %convert_element_type3A_228 = arith.extui %gt3A_227 : i1 to i32
      %cond3A_229 = arith.constant 0 : i32
      %cond3A_230 = arith.cmpi ne, %convert_element_type3A_228, %cond3A_229 : i32
      scf.if %cond3A_230 {
        %add3A_261 = arith.constant 512 : i32
        %add3A_262 = arith.addi %select_n3A_216, %add3A_261 : i32
        "tpu.region"() ({
          %run_scoped3A = tpu.sem_alloc : memref<!tpu.dma_semaphore, #tpu.memory_space<semaphore_mem>>
          %dma_start3A = tpu.memref_slice %arg6[%select_n3A, %add3A_262] : memref<4x10256xi32, #tpu.memory_space<hbm>> -> memref<1x512xi32, #tpu.memory_space<hbm>>
          %dma_start3A_263 = tpu.memref_squeeze %dma_start3A : memref<1x512xi32, #tpu.memory_space<hbm>> -> memref<512xi32, #tpu.memory_space<hbm>>
          %dma_start3A_264 = tpu.memref_slice %arg6[%select_n3A, %add3A_262] : memref<4x10256xi32, #tpu.memory_space<hbm>> -> memref<1x512xi32, #tpu.memory_space<hbm>>
          %dma_start3A_265 = tpu.memref_squeeze %dma_start3A_264 : memref<1x512xi32, #tpu.memory_space<hbm>> -> memref<512xi32, #tpu.memory_space<hbm>>
          tpu.enqueue_dma source(%arg7 : memref<512xi32, #tpu.memory_space<vmem>>) target(%dma_start3A_265 : memref<512xi32, #tpu.memory_space<hbm>>) target_semaphore(%run_scoped3A : memref<!tpu.dma_semaphore, #tpu.memory_space<semaphore_mem>>)
          %dma_wait3A = tpu.memref_slice %arg6[%select_n3A, %add3A_262] : memref<4x10256xi32, #tpu.memory_space<hbm>> -> memref<1x512xi32, #tpu.memory_space<hbm>>
          %dma_wait3A_266 = tpu.memref_squeeze %dma_wait3A : memref<1x512xi32, #tpu.memory_space<hbm>> -> memref<512xi32, #tpu.memory_space<hbm>>
          %dma_wait3A_267 = tpu.memref_slice %arg6[%select_n3A, %add3A_262] : memref<4x10256xi32, #tpu.memory_space<hbm>> -> memref<1x512xi32, #tpu.memory_space<hbm>>
          %dma_wait3A_268 = tpu.memref_squeeze %dma_wait3A_267 : memref<1x512xi32, #tpu.memory_space<hbm>> -> memref<512xi32, #tpu.memory_space<hbm>>
          tpu.wait_dma2 semaphore(%run_scoped3A : memref<!tpu.dma_semaphore, #tpu.memory_space<semaphore_mem>>) src(%arg7 : memref<512xi32, #tpu.memory_space<vmem>>) dst(%dma_wait3A_268 : memref<512xi32, #tpu.memory_space<hbm>>)
          tpu.yield
        }) : () -> ()
      } else {
      }
      %gt3A_231 = arith.constant 2 : i32
      %gt3A_232 = arith.cmpi sgt, %select_n3A_221, %gt3A_231 : i32
      %convert_element_type3A_233 = arith.extui %gt3A_232 : i1 to i32
      %cond3A_234 = arith.constant 0 : i32
      %cond3A_235 = arith.cmpi ne, %convert_element_type3A_233, %cond3A_234 : i32
      scf.if %cond3A_235 {
        %add3A_261 = arith.constant 1024 : i32
        %add3A_262 = arith.addi %select_n3A_216, %add3A_261 : i32
        "tpu.region"() ({
          %run_scoped3A = tpu.sem_alloc : memref<!tpu.dma_semaphore, #tpu.memory_space<semaphore_mem>>
          %dma_start3A = tpu.memref_slice %arg6[%select_n3A, %add3A_262] : memref<4x10256xi32, #tpu.memory_space<hbm>> -> memref<1x512xi32, #tpu.memory_space<hbm>>
          %dma_start3A_263 = tpu.memref_squeeze %dma_start3A : memref<1x512xi32, #tpu.memory_space<hbm>> -> memref<512xi32, #tpu.memory_space<hbm>>
          %dma_start3A_264 = tpu.memref_slice %arg6[%select_n3A, %add3A_262] : memref<4x10256xi32, #tpu.memory_space<hbm>> -> memref<1x512xi32, #tpu.memory_space<hbm>>
          %dma_start3A_265 = tpu.memref_squeeze %dma_start3A_264 : memref<1x512xi32, #tpu.memory_space<hbm>> -> memref<512xi32, #tpu.memory_space<hbm>>
          tpu.enqueue_dma source(%arg7 : memref<512xi32, #tpu.memory_space<vmem>>) target(%dma_start3A_265 : memref<512xi32, #tpu.memory_space<hbm>>) target_semaphore(%run_scoped3A : memref<!tpu.dma_semaphore, #tpu.memory_space<semaphore_mem>>)
          %dma_wait3A = tpu.memref_slice %arg6[%select_n3A, %add3A_262] : memref<4x10256xi32, #tpu.memory_space<hbm>> -> memref<1x512xi32, #tpu.memory_space<hbm>>
          %dma_wait3A_266 = tpu.memref_squeeze %dma_wait3A : memref<1x512xi32, #tpu.memory_space<hbm>> -> memref<512xi32, #tpu.memory_space<hbm>>
          %dma_wait3A_267 = tpu.memref_slice %arg6[%select_n3A, %add3A_262] : memref<4x10256xi32, #tpu.memory_space<hbm>> -> memref<1x512xi32, #tpu.memory_space<hbm>>
          %dma_wait3A_268 = tpu.memref_squeeze %dma_wait3A_267 : memref<1x512xi32, #tpu.memory_space<hbm>> -> memref<512xi32, #tpu.memory_space<hbm>>
          tpu.wait_dma2 semaphore(%run_scoped3A : memref<!tpu.dma_semaphore, #tpu.memory_space<semaphore_mem>>) src(%arg7 : memref<512xi32, #tpu.memory_space<vmem>>) dst(%dma_wait3A_268 : memref<512xi32, #tpu.memory_space<hbm>>)
          tpu.yield
        }) : () -> ()
      } else {
      }
      %gt3A_236 = arith.constant 3 : i32
      %gt3A_237 = arith.cmpi sgt, %select_n3A_221, %gt3A_236 : i32
      %convert_element_type3A_238 = arith.extui %gt3A_237 : i1 to i32
      %cond3A_239 = arith.constant 0 : i32
      %cond3A_240 = arith.cmpi ne, %convert_element_type3A_238, %cond3A_239 : i32
      scf.if %cond3A_240 {
        %add3A_261 = arith.constant 1536 : i32
        %add3A_262 = arith.addi %select_n3A_216, %add3A_261 : i32
        "tpu.region"() ({
          %run_scoped3A = tpu.sem_alloc : memref<!tpu.dma_semaphore, #tpu.memory_space<semaphore_mem>>
          %dma_start3A = tpu.memref_slice %arg6[%select_n3A, %add3A_262] : memref<4x10256xi32, #tpu.memory_space<hbm>> -> memref<1x512xi32, #tpu.memory_space<hbm>>
          %dma_start3A_263 = tpu.memref_squeeze %dma_start3A : memref<1x512xi32, #tpu.memory_space<hbm>> -> memref<512xi32, #tpu.memory_space<hbm>>
          %dma_start3A_264 = tpu.memref_slice %arg6[%select_n3A, %add3A_262] : memref<4x10256xi32, #tpu.memory_space<hbm>> -> memref<1x512xi32, #tpu.memory_space<hbm>>
          %dma_start3A_265 = tpu.memref_squeeze %dma_start3A_264 : memref<1x512xi32, #tpu.memory_space<hbm>> -> memref<512xi32, #tpu.memory_space<hbm>>
          tpu.enqueue_dma source(%arg7 : memref<512xi32, #tpu.memory_space<vmem>>) target(%dma_start3A_265 : memref<512xi32, #tpu.memory_space<hbm>>) target_semaphore(%run_scoped3A : memref<!tpu.dma_semaphore, #tpu.memory_space<semaphore_mem>>)
          %dma_wait3A = tpu.memref_slice %arg6[%select_n3A, %add3A_262] : memref<4x10256xi32, #tpu.memory_space<hbm>> -> memref<1x512xi32, #tpu.memory_space<hbm>>
          %dma_wait3A_266 = tpu.memref_squeeze %dma_wait3A : memref<1x512xi32, #tpu.memory_space<hbm>> -> memref<512xi32, #tpu.memory_space<hbm>>
          %dma_wait3A_267 = tpu.memref_slice %arg6[%select_n3A, %add3A_262] : memref<4x10256xi32, #tpu.memory_space<hbm>> -> memref<1x512xi32, #tpu.memory_space<hbm>>
          %dma_wait3A_268 = tpu.memref_squeeze %dma_wait3A_267 : memref<1x512xi32, #tpu.memory_space<hbm>> -> memref<512xi32, #tpu.memory_space<hbm>>
          tpu.wait_dma2 semaphore(%run_scoped3A : memref<!tpu.dma_semaphore, #tpu.memory_space<semaphore_mem>>) src(%arg7 : memref<512xi32, #tpu.memory_space<vmem>>) dst(%dma_wait3A_268 : memref<512xi32, #tpu.memory_space<hbm>>)
          tpu.yield
        }) : () -> ()
      } else {
      }
      %gt3A_241 = arith.constant 4 : i32
      %gt3A_242 = arith.cmpi sgt, %select_n3A_221, %gt3A_241 : i32
      %convert_element_type3A_243 = arith.extui %gt3A_242 : i1 to i32
      %cond3A_244 = arith.constant 0 : i32
      %cond3A_245 = arith.cmpi ne, %convert_element_type3A_243, %cond3A_244 : i32
      scf.if %cond3A_245 {
        %add3A_261 = arith.constant 2048 : i32
        %add3A_262 = arith.addi %select_n3A_216, %add3A_261 : i32
        "tpu.region"() ({
          %run_scoped3A = tpu.sem_alloc : memref<!tpu.dma_semaphore, #tpu.memory_space<semaphore_mem>>
          %dma_start3A = tpu.memref_slice %arg6[%select_n3A, %add3A_262] : memref<4x10256xi32, #tpu.memory_space<hbm>> -> memref<1x512xi32, #tpu.memory_space<hbm>>
          %dma_start3A_263 = tpu.memref_squeeze %dma_start3A : memref<1x512xi32, #tpu.memory_space<hbm>> -> memref<512xi32, #tpu.memory_space<hbm>>
          %dma_start3A_264 = tpu.memref_slice %arg6[%select_n3A, %add3A_262] : memref<4x10256xi32, #tpu.memory_space<hbm>> -> memref<1x512xi32, #tpu.memory_space<hbm>>
          %dma_start3A_265 = tpu.memref_squeeze %dma_start3A_264 : memref<1x512xi32, #tpu.memory_space<hbm>> -> memref<512xi32, #tpu.memory_space<hbm>>
          tpu.enqueue_dma source(%arg7 : memref<512xi32, #tpu.memory_space<vmem>>) target(%dma_start3A_265 : memref<512xi32, #tpu.memory_space<hbm>>) target_semaphore(%run_scoped3A : memref<!tpu.dma_semaphore, #tpu.memory_space<semaphore_mem>>)
          %dma_wait3A = tpu.memref_slice %arg6[%select_n3A, %add3A_262] : memref<4x10256xi32, #tpu.memory_space<hbm>> -> memref<1x512xi32, #tpu.memory_space<hbm>>
          %dma_wait3A_266 = tpu.memref_squeeze %dma_wait3A : memref<1x512xi32, #tpu.memory_space<hbm>> -> memref<512xi32, #tpu.memory_space<hbm>>
          %dma_wait3A_267 = tpu.memref_slice %arg6[%select_n3A, %add3A_262] : memref<4x10256xi32, #tpu.memory_space<hbm>> -> memref<1x512xi32, #tpu.memory_space<hbm>>
          %dma_wait3A_268 = tpu.memref_squeeze %dma_wait3A_267 : memref<1x512xi32, #tpu.memory_space<hbm>> -> memref<512xi32, #tpu.memory_space<hbm>>
          tpu.wait_dma2 semaphore(%run_scoped3A : memref<!tpu.dma_semaphore, #tpu.memory_space<semaphore_mem>>) src(%arg7 : memref<512xi32, #tpu.memory_space<vmem>>) dst(%dma_wait3A_268 : memref<512xi32, #tpu.memory_space<hbm>>)
          tpu.yield
        }) : () -> ()
      } else {
      }
      %gt3A_246 = arith.constant 5 : i32
      %gt3A_247 = arith.cmpi sgt, %select_n3A_221, %gt3A_246 : i32
      %convert_element_type3A_248 = arith.extui %gt3A_247 : i1 to i32
      %cond3A_249 = arith.constant 0 : i32
      %cond3A_250 = arith.cmpi ne, %convert_element_type3A_248, %cond3A_249 : i32
      scf.if %cond3A_250 {
        %add3A_261 = arith.constant 2560 : i32
        %add3A_262 = arith.addi %select_n3A_216, %add3A_261 : i32
        "tpu.region"() ({
          %run_scoped3A = tpu.sem_alloc : memref<!tpu.dma_semaphore, #tpu.memory_space<semaphore_mem>>
          %dma_start3A = tpu.memref_slice %arg6[%select_n3A, %add3A_262] : memref<4x10256xi32, #tpu.memory_space<hbm>> -> memref<1x512xi32, #tpu.memory_space<hbm>>
          %dma_start3A_263 = tpu.memref_squeeze %dma_start3A : memref<1x512xi32, #tpu.memory_space<hbm>> -> memref<512xi32, #tpu.memory_space<hbm>>
          %dma_start3A_264 = tpu.memref_slice %arg6[%select_n3A, %add3A_262] : memref<4x10256xi32, #tpu.memory_space<hbm>> -> memref<1x512xi32, #tpu.memory_space<hbm>>
          %dma_start3A_265 = tpu.memref_squeeze %dma_start3A_264 : memref<1x512xi32, #tpu.memory_space<hbm>> -> memref<512xi32, #tpu.memory_space<hbm>>
          tpu.enqueue_dma source(%arg7 : memref<512xi32, #tpu.memory_space<vmem>>) target(%dma_start3A_265 : memref<512xi32, #tpu.memory_space<hbm>>) target_semaphore(%run_scoped3A : memref<!tpu.dma_semaphore, #tpu.memory_space<semaphore_mem>>)
          %dma_wait3A = tpu.memref_slice %arg6[%select_n3A, %add3A_262] : memref<4x10256xi32, #tpu.memory_space<hbm>> -> memref<1x512xi32, #tpu.memory_space<hbm>>
          %dma_wait3A_266 = tpu.memref_squeeze %dma_wait3A : memref<1x512xi32, #tpu.memory_space<hbm>> -> memref<512xi32, #tpu.memory_space<hbm>>
          %dma_wait3A_267 = tpu.memref_slice %arg6[%select_n3A, %add3A_262] : memref<4x10256xi32, #tpu.memory_space<hbm>> -> memref<1x512xi32, #tpu.memory_space<hbm>>
          %dma_wait3A_268 = tpu.memref_squeeze %dma_wait3A_267 : memref<1x512xi32, #tpu.memory_space<hbm>> -> memref<512xi32, #tpu.memory_space<hbm>>
          tpu.wait_dma2 semaphore(%run_scoped3A : memref<!tpu.dma_semaphore, #tpu.memory_space<semaphore_mem>>) src(%arg7 : memref<512xi32, #tpu.memory_space<vmem>>) dst(%dma_wait3A_268 : memref<512xi32, #tpu.memory_space<hbm>>)
          tpu.yield
        }) : () -> ()
      } else {
      }
      %gt3A_251 = arith.constant 6 : i32
      %gt3A_252 = arith.cmpi sgt, %select_n3A_221, %gt3A_251 : i32
      %convert_element_type3A_253 = arith.extui %gt3A_252 : i1 to i32
      %cond3A_254 = arith.constant 0 : i32
      %cond3A_255 = arith.cmpi ne, %convert_element_type3A_253, %cond3A_254 : i32
      scf.if %cond3A_255 {
        %add3A_261 = arith.constant 3072 : i32
        %add3A_262 = arith.addi %select_n3A_216, %add3A_261 : i32
        "tpu.region"() ({
          %run_scoped3A = tpu.sem_alloc : memref<!tpu.dma_semaphore, #tpu.memory_space<semaphore_mem>>
          %dma_start3A = tpu.memref_slice %arg6[%select_n3A, %add3A_262] : memref<4x10256xi32, #tpu.memory_space<hbm>> -> memref<1x512xi32, #tpu.memory_space<hbm>>
          %dma_start3A_263 = tpu.memref_squeeze %dma_start3A : memref<1x512xi32, #tpu.memory_space<hbm>> -> memref<512xi32, #tpu.memory_space<hbm>>
          %dma_start3A_264 = tpu.memref_slice %arg6[%select_n3A, %add3A_262] : memref<4x10256xi32, #tpu.memory_space<hbm>> -> memref<1x512xi32, #tpu.memory_space<hbm>>
          %dma_start3A_265 = tpu.memref_squeeze %dma_start3A_264 : memref<1x512xi32, #tpu.memory_space<hbm>> -> memref<512xi32, #tpu.memory_space<hbm>>
          tpu.enqueue_dma source(%arg7 : memref<512xi32, #tpu.memory_space<vmem>>) target(%dma_start3A_265 : memref<512xi32, #tpu.memory_space<hbm>>) target_semaphore(%run_scoped3A : memref<!tpu.dma_semaphore, #tpu.memory_space<semaphore_mem>>)
          %dma_wait3A = tpu.memref_slice %arg6[%select_n3A, %add3A_262] : memref<4x10256xi32, #tpu.memory_space<hbm>> -> memref<1x512xi32, #tpu.memory_space<hbm>>
          %dma_wait3A_266 = tpu.memref_squeeze %dma_wait3A : memref<1x512xi32, #tpu.memory_space<hbm>> -> memref<512xi32, #tpu.memory_space<hbm>>
          %dma_wait3A_267 = tpu.memref_slice %arg6[%select_n3A, %add3A_262] : memref<4x10256xi32, #tpu.memory_space<hbm>> -> memref<1x512xi32, #tpu.memory_space<hbm>>
          %dma_wait3A_268 = tpu.memref_squeeze %dma_wait3A_267 : memref<1x512xi32, #tpu.memory_space<hbm>> -> memref<512xi32, #tpu.memory_space<hbm>>
          tpu.wait_dma2 semaphore(%run_scoped3A : memref<!tpu.dma_semaphore, #tpu.memory_space<semaphore_mem>>) src(%arg7 : memref<512xi32, #tpu.memory_space<vmem>>) dst(%dma_wait3A_268 : memref<512xi32, #tpu.memory_space<hbm>>)
          tpu.yield
        }) : () -> ()
      } else {
      }
      %gt3A_256 = arith.constant 7 : i32
      %gt3A_257 = arith.cmpi sgt, %select_n3A_221, %gt3A_256 : i32
      %convert_element_type3A_258 = arith.extui %gt3A_257 : i1 to i32
      %cond3A_259 = arith.constant 0 : i32
      %cond3A_260 = arith.cmpi ne, %convert_element_type3A_258, %cond3A_259 : i32
      scf.if %cond3A_260 {
        %add3A_261 = arith.constant 3584 : i32
        %add3A_262 = arith.addi %select_n3A_216, %add3A_261 : i32
        "tpu.region"() ({
          %run_scoped3A = tpu.sem_alloc : memref<!tpu.dma_semaphore, #tpu.memory_space<semaphore_mem>>
          %dma_start3A = tpu.memref_slice %arg6[%select_n3A, %add3A_262] : memref<4x10256xi32, #tpu.memory_space<hbm>> -> memref<1x512xi32, #tpu.memory_space<hbm>>
          %dma_start3A_263 = tpu.memref_squeeze %dma_start3A : memref<1x512xi32, #tpu.memory_space<hbm>> -> memref<512xi32, #tpu.memory_space<hbm>>
          %dma_start3A_264 = tpu.memref_slice %arg6[%select_n3A, %add3A_262] : memref<4x10256xi32, #tpu.memory_space<hbm>> -> memref<1x512xi32, #tpu.memory_space<hbm>>
          %dma_start3A_265 = tpu.memref_squeeze %dma_start3A_264 : memref<1x512xi32, #tpu.memory_space<hbm>> -> memref<512xi32, #tpu.memory_space<hbm>>
          tpu.enqueue_dma source(%arg7 : memref<512xi32, #tpu.memory_space<vmem>>) target(%dma_start3A_265 : memref<512xi32, #tpu.memory_space<hbm>>) target_semaphore(%run_scoped3A : memref<!tpu.dma_semaphore, #tpu.memory_space<semaphore_mem>>)
          %dma_wait3A = tpu.memref_slice %arg6[%select_n3A, %add3A_262] : memref<4x10256xi32, #tpu.memory_space<hbm>> -> memref<1x512xi32, #tpu.memory_space<hbm>>
          %dma_wait3A_266 = tpu.memref_squeeze %dma_wait3A : memref<1x512xi32, #tpu.memory_space<hbm>> -> memref<512xi32, #tpu.memory_space<hbm>>
          %dma_wait3A_267 = tpu.memref_slice %arg6[%select_n3A, %add3A_262] : memref<4x10256xi32, #tpu.memory_space<hbm>> -> memref<1x512xi32, #tpu.memory_space<hbm>>
          %dma_wait3A_268 = tpu.memref_squeeze %dma_wait3A_267 : memref<1x512xi32, #tpu.memory_space<hbm>> -> memref<512xi32, #tpu.memory_space<hbm>>
          tpu.wait_dma2 semaphore(%run_scoped3A : memref<!tpu.dma_semaphore, #tpu.memory_space<semaphore_mem>>) src(%arg7 : memref<512xi32, #tpu.memory_space<vmem>>) dst(%dma_wait3A_268 : memref<512xi32, #tpu.memory_space<hbm>>)
          tpu.yield
        }) : () -> ()
      } else {
      }
    } else {
    }
    %eq3A = arith.constant 24 : i32
    %eq3A_9 = arith.cmpi eq, %add3A, %eq3A : i32
    %convert_element_type3A_10 = arith.extui %eq3A_9 : i1 to i32
    %cond3A_11 = arith.constant 0 : i32
    %cond3A_12 = arith.cmpi ne, %convert_element_type3A_10, %cond3A_11 : i32
    scf.if %cond3A_12 {
      "tpu.region"() ({
        %run_scoped3A_156 = tpu.sem_alloc : memref<!tpu.dma_semaphore, #tpu.memory_space<semaphore_mem>>
        tpu.enqueue_dma source(%arg2 : memref<4x4096xf32, #tpu.memory_space<hbm>>) target(%arg8 : memref<4x4096xf32, #tpu.memory_space<vmem>>) target_semaphore(%run_scoped3A_156 : memref<!tpu.dma_semaphore, #tpu.memory_space<semaphore_mem>>)
        tpu.wait_dma2 semaphore(%run_scoped3A_156 : memref<!tpu.dma_semaphore, #tpu.memory_space<semaphore_mem>>) src(%arg2 : memref<4x4096xf32, #tpu.memory_space<hbm>>) dst(%arg8 : memref<4x4096xf32, #tpu.memory_space<vmem>>)
        tpu.yield
      }) : () -> ()
      "tpu.region"() ({
        %run_scoped3A_156 = tpu.sem_alloc : memref<!tpu.dma_semaphore, #tpu.memory_space<semaphore_mem>>
        tpu.enqueue_dma source(%arg3 : memref<4x4096xf32, #tpu.memory_space<hbm>>) target(%arg9 : memref<4x4096xf32, #tpu.memory_space<vmem>>) target_semaphore(%run_scoped3A_156 : memref<!tpu.dma_semaphore, #tpu.memory_space<semaphore_mem>>)
        tpu.wait_dma2 semaphore(%run_scoped3A_156 : memref<!tpu.dma_semaphore, #tpu.memory_space<semaphore_mem>>) src(%arg3 : memref<4x4096xf32, #tpu.memory_space<hbm>>) dst(%arg9 : memref<4x4096xf32, #tpu.memory_space<vmem>>)
        tpu.yield
      }) : () -> ()
      "tpu.region"() ({
        %run_scoped3A_156 = tpu.sem_alloc : memref<!tpu.dma_semaphore, #tpu.memory_space<semaphore_mem>>
        tpu.enqueue_dma source(%arg4 : memref<4x2048xf32, #tpu.memory_space<hbm>>) target(%arg10 : memref<4x2048xf32, #tpu.memory_space<vmem>>) target_semaphore(%run_scoped3A_156 : memref<!tpu.dma_semaphore, #tpu.memory_space<semaphore_mem>>)
        tpu.wait_dma2 semaphore(%run_scoped3A_156 : memref<!tpu.dma_semaphore, #tpu.memory_space<semaphore_mem>>) src(%arg4 : memref<4x2048xf32, #tpu.memory_space<hbm>>) dst(%arg10 : memref<4x2048xf32, #tpu.memory_space<vmem>>)
        tpu.yield
      }) : () -> ()
      %broadcast_in_dim3A = arith.constant 0xFF800000 : f32
      %broadcast_in_dim3A_13 = vector.broadcast %broadcast_in_dim3A : f32 to vector<16xf32>
      %scan3A = arith.constant 0 : i32
      %scan3A_14 = arith.constant 256 : i32
      %scan3A_15 = arith.addi %scan3A, %scan3A_14 : i32
      %scan3A_16 = arith.constant 1 : i32
      %scan3A_17 = scf.for %scan3A_156 = %scan3A to %scan3A_15 step %scan3A_16 iter_args(%scan3A_157 = %broadcast_in_dim3A_13) -> (vector<16xf32>)  : i32 {
        %mul3A_158 = arith.constant 16 : i32
        %mul3A_159 = arith.muli %scan3A_156, %mul3A_158 : i32
        %get3A = arith.constant 0 : i32
        %get3A_160 = arith.index_cast %get3A : i32 to index
        %get3A_161 = arith.index_cast %mul3A_159 : i32 to index
        %get3A_162 = tpu.vector_load %arg8[%get3A_160, %get3A_161] {strides = array<i32>} : memref<4x4096xf32, #tpu.memory_space<vmem>>, vector<1x16xf32>,
        %get3A_163 = vector.shape_cast %get3A_162 : vector<1x16xf32> to vector<16xf32>
        %max3A_164 = arith.maximumf %scan3A_157, %get3A_163 : vector<16xf32>
        scf.yield %max3A_164 : vector<16xf32>
      }
      %scan3A_18 = arith.constant 256 : i32
      %scan3A_19 = arith.constant 0 : i32
      %scan3A_20 = arith.constant 256 : i32
      %scan3A_21 = arith.addi %scan3A_19, %scan3A_20 : i32
      %scan3A_22 = arith.constant 1 : i32
      %scan3A_23 = scf.for %scan3A_156 = %scan3A_19 to %scan3A_21 step %scan3A_22 iter_args(%scan3A_157 = %scan3A_17) -> (vector<16xf32>)  : i32 {
        %mul3A_158 = arith.constant 16 : i32
        %mul3A_159 = arith.muli %scan3A_156, %mul3A_158 : i32
        %get3A = arith.constant 0 : i32
        %get3A_160 = arith.index_cast %get3A : i32 to index
        %get3A_161 = arith.index_cast %mul3A_159 : i32 to index
        %get3A_162 = tpu.vector_load %arg9[%get3A_160, %get3A_161] {strides = array<i32>} : memref<4x4096xf32, #tpu.memory_space<vmem>>, vector<1x16xf32>,
        %get3A_163 = vector.shape_cast %get3A_162 : vector<1x16xf32> to vector<16xf32>
        %max3A_164 = arith.maximumf %scan3A_157, %get3A_163 : vector<16xf32>
        scf.yield %max3A_164 : vector<16xf32>
      }
      %scan3A_24 = arith.constant 256 : i32
      %scan3A_25 = arith.constant 0 : i32
      %scan3A_26 = arith.constant 128 : i32
      %scan3A_27 = arith.addi %scan3A_25, %scan3A_26 : i32
      %scan3A_28 = arith.constant 1 : i32
      %scan3A_29 = scf.for %scan3A_156 = %scan3A_25 to %scan3A_27 step %scan3A_28 iter_args(%scan3A_157 = %scan3A_23) -> (vector<16xf32>)  : i32 {
        %mul3A_158 = arith.constant 16 : i32
        %mul3A_159 = arith.muli %scan3A_156, %mul3A_158 : i32
        %get3A = arith.constant 0 : i32
        %get3A_160 = arith.index_cast %get3A : i32 to index
        %get3A_161 = arith.index_cast %mul3A_159 : i32 to index
        %get3A_162 = tpu.vector_load %arg10[%get3A_160, %get3A_161] {strides = array<i32>} : memref<4x2048xf32, #tpu.memory_space<vmem>>, vector<1x16xf32>,
        %get3A_163 = vector.shape_cast %get3A_162 : vector<1x16xf32> to vector<16xf32>
        %max3A_164 = arith.maximumf %scan3A_157, %get3A_163 : vector<16xf32>
        scf.yield %max3A_164 : vector<16xf32>
      }
      %scan3A_30 = arith.constant 128 : i32
      %scan3A_31 = arith.constant 0 : i32
      %scan3A_32 = arith.constant 256 : i32
      %scan3A_33 = arith.addi %scan3A_31, %scan3A_32 : i32
      %scan3A_34 = arith.constant 1 : i32
      %scan3A_35 = scf.for %scan3A_156 = %scan3A_31 to %scan3A_33 step %scan3A_34 iter_args(%scan3A_157 = %scan3A_29) -> (vector<16xf32>)  : i32 {
        %mul3A_158 = arith.constant 16 : i32
        %mul3A_159 = arith.muli %scan3A_156, %mul3A_158 : i32
        %get3A = arith.constant 1 : i32
        %get3A_160 = arith.index_cast %get3A : i32 to index
        %get3A_161 = arith.index_cast %mul3A_159 : i32 to index
        %get3A_162 = tpu.vector_load %arg8[%get3A_160, %get3A_161] {strides = array<i32>} : memref<4x4096xf32, #tpu.memory_space<vmem>>, vector<1x16xf32>,
        %get3A_163 = vector.shape_cast %get3A_162 : vector<1x16xf32> to vector<16xf32>
        %max3A_164 = arith.maximumf %scan3A_157, %get3A_163 : vector<16xf32>
        scf.yield %max3A_164 : vector<16xf32>
      }
      %scan3A_36 = arith.constant 256 : i32
      %scan3A_37 = arith.constant 0 : i32
      %scan3A_38 = arith.constant 256 : i32
      %scan3A_39 = arith.addi %scan3A_37, %scan3A_38 : i32
      %scan3A_40 = arith.constant 1 : i32
      %scan3A_41 = scf.for %scan3A_156 = %scan3A_37 to %scan3A_39 step %scan3A_40 iter_args(%scan3A_157 = %scan3A_35) -> (vector<16xf32>)  : i32 {
        %mul3A_158 = arith.constant 16 : i32
        %mul3A_159 = arith.muli %scan3A_156, %mul3A_158 : i32
        %get3A = arith.constant 1 : i32
        %get3A_160 = arith.index_cast %get3A : i32 to index
        %get3A_161 = arith.index_cast %mul3A_159 : i32 to index
        %get3A_162 = tpu.vector_load %arg9[%get3A_160, %get3A_161] {strides = array<i32>} : memref<4x4096xf32, #tpu.memory_space<vmem>>, vector<1x16xf32>,
        %get3A_163 = vector.shape_cast %get3A_162 : vector<1x16xf32> to vector<16xf32>
        %max3A_164 = arith.maximumf %scan3A_157, %get3A_163 : vector<16xf32>
        scf.yield %max3A_164 : vector<16xf32>
      }
      %scan3A_42 = arith.constant 256 : i32
      %scan3A_43 = arith.constant 0 : i32
      %scan3A_44 = arith.constant 128 : i32
      %scan3A_45 = arith.addi %scan3A_43, %scan3A_44 : i32
      %scan3A_46 = arith.constant 1 : i32
      %scan3A_47 = scf.for %scan3A_156 = %scan3A_43 to %scan3A_45 step %scan3A_46 iter_args(%scan3A_157 = %scan3A_41) -> (vector<16xf32>)  : i32 {
        %mul3A_158 = arith.constant 16 : i32
        %mul3A_159 = arith.muli %scan3A_156, %mul3A_158 : i32
        %get3A = arith.constant 1 : i32
        %get3A_160 = arith.index_cast %get3A : i32 to index
        %get3A_161 = arith.index_cast %mul3A_159 : i32 to index
        %get3A_162 = tpu.vector_load %arg10[%get3A_160, %get3A_161] {strides = array<i32>} : memref<4x2048xf32, #tpu.memory_space<vmem>>, vector<1x16xf32>,
        %get3A_163 = vector.shape_cast %get3A_162 : vector<1x16xf32> to vector<16xf32>
        %max3A_164 = arith.maximumf %scan3A_157, %get3A_163 : vector<16xf32>
        scf.yield %max3A_164 : vector<16xf32>
      }
      %scan3A_48 = arith.constant 128 : i32
      %scan3A_49 = arith.constant 0 : i32
      %scan3A_50 = arith.constant 256 : i32
      %scan3A_51 = arith.addi %scan3A_49, %scan3A_50 : i32
      %scan3A_52 = arith.constant 1 : i32
      %scan3A_53 = scf.for %scan3A_156 = %scan3A_49 to %scan3A_51 step %scan3A_52 iter_args(%scan3A_157 = %scan3A_47) -> (vector<16xf32>)  : i32 {
        %mul3A_158 = arith.constant 16 : i32
        %mul3A_159 = arith.muli %scan3A_156, %mul3A_158 : i32
        %get3A = arith.constant 2 : i32
        %get3A_160 = arith.index_cast %get3A : i32 to index
        %get3A_161 = arith.index_cast %mul3A_159 : i32 to index
        %get3A_162 = tpu.vector_load %arg8[%get3A_160, %get3A_161] {strides = array<i32>} : memref<4x4096xf32, #tpu.memory_space<vmem>>, vector<1x16xf32>,
        %get3A_163 = vector.shape_cast %get3A_162 : vector<1x16xf32> to vector<16xf32>
        %max3A_164 = arith.maximumf %scan3A_157, %get3A_163 : vector<16xf32>
        scf.yield %max3A_164 : vector<16xf32>
      }
      %scan3A_54 = arith.constant 256 : i32
      %scan3A_55 = arith.constant 0 : i32
      %scan3A_56 = arith.constant 256 : i32
      %scan3A_57 = arith.addi %scan3A_55, %scan3A_56 : i32
      %scan3A_58 = arith.constant 1 : i32
      %scan3A_59 = scf.for %scan3A_156 = %scan3A_55 to %scan3A_57 step %scan3A_58 iter_args(%scan3A_157 = %scan3A_53) -> (vector<16xf32>)  : i32 {
        %mul3A_158 = arith.constant 16 : i32
        %mul3A_159 = arith.muli %scan3A_156, %mul3A_158 : i32
        %get3A = arith.constant 2 : i32
        %get3A_160 = arith.index_cast %get3A : i32 to index
        %get3A_161 = arith.index_cast %mul3A_159 : i32 to index
        %get3A_162 = tpu.vector_load %arg9[%get3A_160, %get3A_161] {strides = array<i32>} : memref<4x4096xf32, #tpu.memory_space<vmem>>, vector<1x16xf32>,
        %get3A_163 = vector.shape_cast %get3A_162 : vector<1x16xf32> to vector<16xf32>
        %max3A_164 = arith.maximumf %scan3A_157, %get3A_163 : vector<16xf32>
        scf.yield %max3A_164 : vector<16xf32>
      }
      %scan3A_60 = arith.constant 256 : i32
      %scan3A_61 = arith.constant 0 : i32
      %scan3A_62 = arith.constant 128 : i32
      %scan3A_63 = arith.addi %scan3A_61, %scan3A_62 : i32
      %scan3A_64 = arith.constant 1 : i32
      %scan3A_65 = scf.for %scan3A_156 = %scan3A_61 to %scan3A_63 step %scan3A_64 iter_args(%scan3A_157 = %scan3A_59) -> (vector<16xf32>)  : i32 {
        %mul3A_158 = arith.constant 16 : i32
        %mul3A_159 = arith.muli %scan3A_156, %mul3A_158 : i32
        %get3A = arith.constant 2 : i32
        %get3A_160 = arith.index_cast %get3A : i32 to index
        %get3A_161 = arith.index_cast %mul3A_159 : i32 to index
        %get3A_162 = tpu.vector_load %arg10[%get3A_160, %get3A_161] {strides = array<i32>} : memref<4x2048xf32, #tpu.memory_space<vmem>>, vector<1x16xf32>,
        %get3A_163 = vector.shape_cast %get3A_162 : vector<1x16xf32> to vector<16xf32>
        %max3A_164 = arith.maximumf %scan3A_157, %get3A_163 : vector<16xf32>
        scf.yield %max3A_164 : vector<16xf32>
      }
      %scan3A_66 = arith.constant 128 : i32
      %scan3A_67 = arith.constant 0 : i32
      %scan3A_68 = arith.constant 256 : i32
      %scan3A_69 = arith.addi %scan3A_67, %scan3A_68 : i32
      %scan3A_70 = arith.constant 1 : i32
      %scan3A_71 = scf.for %scan3A_156 = %scan3A_67 to %scan3A_69 step %scan3A_70 iter_args(%scan3A_157 = %scan3A_65) -> (vector<16xf32>)  : i32 {
        %mul3A_158 = arith.constant 16 : i32
        %mul3A_159 = arith.muli %scan3A_156, %mul3A_158 : i32
        %get3A = arith.constant 3 : i32
        %get3A_160 = arith.index_cast %get3A : i32 to index
        %get3A_161 = arith.index_cast %mul3A_159 : i32 to index
        %get3A_162 = tpu.vector_load %arg8[%get3A_160, %get3A_161] {strides = array<i32>} : memref<4x4096xf32, #tpu.memory_space<vmem>>, vector<1x16xf32>,
        %get3A_163 = vector.shape_cast %get3A_162 : vector<1x16xf32> to vector<16xf32>
        %max3A_164 = arith.maximumf %scan3A_157, %get3A_163 : vector<16xf32>
        scf.yield %max3A_164 : vector<16xf32>
      }
      %scan3A_72 = arith.constant 256 : i32
      %scan3A_73 = arith.constant 0 : i32
      %scan3A_74 = arith.constant 256 : i32
      %scan3A_75 = arith.addi %scan3A_73, %scan3A_74 : i32
      %scan3A_76 = arith.constant 1 : i32
      %scan3A_77 = scf.for %scan3A_156 = %scan3A_73 to %scan3A_75 step %scan3A_76 iter_args(%scan3A_157 = %scan3A_71) -> (vector<16xf32>)  : i32 {
        %mul3A_158 = arith.constant 16 : i32
        %mul3A_159 = arith.muli %scan3A_156, %mul3A_158 : i32
        %get3A = arith.constant 3 : i32
        %get3A_160 = arith.index_cast %get3A : i32 to index
        %get3A_161 = arith.index_cast %mul3A_159 : i32 to index
        %get3A_162 = tpu.vector_load %arg9[%get3A_160, %get3A_161] {strides = array<i32>} : memref<4x4096xf32, #tpu.memory_space<vmem>>, vector<1x16xf32>,
        %get3A_163 = vector.shape_cast %get3A_162 : vector<1x16xf32> to vector<16xf32>
        %max3A_164 = arith.maximumf %scan3A_157, %get3A_163 : vector<16xf32>
        scf.yield %max3A_164 : vector<16xf32>
      }
      %scan3A_78 = arith.constant 256 : i32
      %scan3A_79 = arith.constant 0 : i32
      %scan3A_80 = arith.constant 128 : i32
      %scan3A_81 = arith.addi %scan3A_79, %scan3A_80 : i32
      %scan3A_82 = arith.constant 1 : i32
      %scan3A_83 = scf.for %scan3A_156 = %scan3A_79 to %scan3A_81 step %scan3A_82 iter_args(%scan3A_157 = %scan3A_77) -> (vector<16xf32>)  : i32 {
        %mul3A_158 = arith.constant 16 : i32
        %mul3A_159 = arith.muli %scan3A_156, %mul3A_158 : i32
        %get3A = arith.constant 3 : i32
        %get3A_160 = arith.index_cast %get3A : i32 to index
        %get3A_161 = arith.index_cast %mul3A_159 : i32 to index
        %get3A_162 = tpu.vector_load %arg10[%get3A_160, %get3A_161] {strides = array<i32>} : memref<4x2048xf32, #tpu.memory_space<vmem>>, vector<1x16xf32>,
        %get3A_163 = vector.shape_cast %get3A_162 : vector<1x16xf32> to vector<16xf32>
        %max3A_164 = arith.maximumf %scan3A_157, %get3A_163 : vector<16xf32>
        scf.yield %max3A_164 : vector<16xf32>
      }
      %scan3A_84 = arith.constant 128 : i32
      %iota3A = tpu.iota {dimensions = array<i32: 0>} : vector<16xi32>
      %xor3A = arith.constant 1 : i32
      %xor3A_85 = vector.broadcast %xor3A : i32 to vector<16xi32>
      %xor3A_86 = arith.xori %iota3A, %xor3A_85 : vector<16xi32>
      %lt3A_87 = arith.constant 0 : i32
      %lt3A_88 = vector.broadcast %lt3A_87 : i32 to vector<16xi32>
      %lt3A_89 = arith.cmpi slt, %xor3A_86, %lt3A_88 : vector<16xi32>
      %add3A_90 = arith.constant 16 : i32
      %add3A_91 = vector.broadcast %add3A_90 : i32 to vector<16xi32>
      %add3A_92 = arith.addi %xor3A_86, %add3A_91 : vector<16xi32>
      %select_n3A = arith.select %lt3A_89, %add3A_92, %xor3A_86 : vector<16xi1>, vector<16xi32>
      %broadcast_in_dim3A_93 = vector.shape_cast %select_n3A : vector<16xi32> to vector<16x1xi32>
      %gather3A = vector.shape_cast %broadcast_in_dim3A_93 : vector<16x1xi32> to vector<16xi32>
      %gather3A_94 = tpu.dynamic_gather %scan3A_83[%gather3A] in [0] : vector<16xf32>, vector<16xi32> -> vector<16xf32>
      %max3A = arith.maximumf %scan3A_83, %gather3A_94 : vector<16xf32>
      %xor3A_95 = arith.constant 2 : i32
      %xor3A_96 = vector.broadcast %xor3A_95 : i32 to vector<16xi32>
      %xor3A_97 = arith.xori %iota3A, %xor3A_96 : vector<16xi32>
      %lt3A_98 = arith.constant 0 : i32
      %lt3A_99 = vector.broadcast %lt3A_98 : i32 to vector<16xi32>
      %lt3A_100 = arith.cmpi slt, %xor3A_97, %lt3A_99 : vector<16xi32>
      %add3A_101 = arith.constant 16 : i32
      %add3A_102 = vector.broadcast %add3A_101 : i32 to vector<16xi32>
      %add3A_103 = arith.addi %xor3A_97, %add3A_102 : vector<16xi32>
      %select_n3A_104 = arith.select %lt3A_100, %add3A_103, %xor3A_97 : vector<16xi1>, vector<16xi32>
      %broadcast_in_dim3A_105 = vector.shape_cast %select_n3A_104 : vector<16xi32> to vector<16x1xi32>
      %gather3A_106 = vector.shape_cast %broadcast_in_dim3A_105 : vector<16x1xi32> to vector<16xi32>
      %gather3A_107 = tpu.dynamic_gather %max3A[%gather3A_106] in [0] : vector<16xf32>, vector<16xi32> -> vector<16xf32>
      %max3A_108 = arith.maximumf %max3A, %gather3A_107 : vector<16xf32>
      %xor3A_109 = arith.constant 4 : i32
      %xor3A_110 = vector.broadcast %xor3A_109 : i32 to vector<16xi32>
      %xor3A_111 = arith.xori %iota3A, %xor3A_110 : vector<16xi32>
      %lt3A_112 = arith.constant 0 : i32
      %lt3A_113 = vector.broadcast %lt3A_112 : i32 to vector<16xi32>
      %lt3A_114 = arith.cmpi slt, %xor3A_111, %lt3A_113 : vector<16xi32>
      %add3A_115 = arith.constant 16 : i32
      %add3A_116 = vector.broadcast %add3A_115 : i32 to vector<16xi32>
      %add3A_117 = arith.addi %xor3A_111, %add3A_116 : vector<16xi32>
      %select_n3A_118 = arith.select %lt3A_114, %add3A_117, %xor3A_111 : vector<16xi1>, vector<16xi32>
      %broadcast_in_dim3A_119 = vector.shape_cast %select_n3A_118 : vector<16xi32> to vector<16x1xi32>
      %gather3A_120 = vector.shape_cast %broadcast_in_dim3A_119 : vector<16x1xi32> to vector<16xi32>
      %gather3A_121 = tpu.dynamic_gather %max3A_108[%gather3A_120] in [0] : vector<16xf32>, vector<16xi32> -> vector<16xf32>
      %max3A_122 = arith.maximumf %max3A_108, %gather3A_121 : vector<16xf32>
      %xor3A_123 = arith.constant 8 : i32
      %xor3A_124 = vector.broadcast %xor3A_123 : i32 to vector<16xi32>
      %xor3A_125 = arith.xori %iota3A, %xor3A_124 : vector<16xi32>
      %lt3A_126 = arith.constant 0 : i32
      %lt3A_127 = vector.broadcast %lt3A_126 : i32 to vector<16xi32>
      %lt3A_128 = arith.cmpi slt, %xor3A_125, %lt3A_127 : vector<16xi32>
      %add3A_129 = arith.constant 16 : i32
      %add3A_130 = vector.broadcast %add3A_129 : i32 to vector<16xi32>
      %add3A_131 = arith.addi %xor3A_125, %add3A_130 : vector<16xi32>
      %select_n3A_132 = arith.select %lt3A_128, %add3A_131, %xor3A_125 : vector<16xi1>, vector<16xi32>
      %broadcast_in_dim3A_133 = vector.shape_cast %select_n3A_132 : vector<16xi32> to vector<16x1xi32>
      %gather3A_134 = vector.shape_cast %broadcast_in_dim3A_133 : vector<16x1xi32> to vector<16xi32>
      %gather3A_135 = tpu.dynamic_gather %max3A_122[%gather3A_134] in [0] : vector<16xf32>, vector<16xi32> -> vector<16xf32>
      %max3A_136 = arith.maximumf %max3A_122, %gather3A_135 : vector<16xf32>
      %add3A_137 = arith.constant 1.000000e+00 : f32
      %add3A_138 = vector.broadcast %add3A_137 : f32 to vector<16xf32>
      %add3A_139 = arith.addf %max3A_136, %add3A_138 : vector<16xf32>
      %swap3A = arith.constant 0 : index
      %swap3A_140 = tpu.vector_load %arg11[%swap3A] {strides = array<i32>} : memref<16xf32, #tpu.memory_space<vmem>>, vector<16xf32>,
      %swap3A_141 = vector.shape_cast %swap3A_140 : vector<16xf32> to vector<16xf32>
      %swap3A_142 = vector.shape_cast %add3A_139 : vector<16xf32> to vector<16xf32>
      tpu.vector_store %arg11[%swap3A], %swap3A_142 {strides = array<i32>} : memref<16xf32, #tpu.memory_space<vmem>>, vector<16xf32>,
      %broadcast_in_dim3A_143 = arith.constant 5 : i32
      %broadcast_in_dim3A_144 = vector.broadcast %broadcast_in_dim3A_143 : i32 to vector<16xi32>
      %swap3A_145 = arith.constant 0 : index
      %swap3A_146 = tpu.vector_load %arg12[%swap3A_145] {strides = array<i32>} : memref<16xi32, #tpu.memory_space<vmem>>, vector<16xi32>,
      %swap3A_147 = vector.shape_cast %swap3A_146 : vector<16xi32> to vector<16xi32>
      %swap3A_148 = vector.shape_cast %broadcast_in_dim3A_144 : vector<16xi32> to vector<16xi32>
      tpu.vector_store %arg12[%swap3A_145], %swap3A_148 {strides = array<i32>} : memref<16xi32, #tpu.memory_space<vmem>>, vector<16xi32>,
      %run_scoped3A = arith.constant 0 : i32
      "tpu.region"() ({
        %run_scoped3A_156 = tpu.sem_alloc : memref<!tpu.dma_semaphore, #tpu.memory_space<semaphore_mem>>
        %dma_start3A = arith.constant 10240 : i32
        %dma_start3A_157 = tpu.memref_slice %arg5[%run_scoped3A, %dma_start3A] : memref<4x10256xf32, #tpu.memory_space<hbm>> -> memref<1x16xf32, #tpu.memory_space<hbm>>
        %dma_start3A_158 = tpu.memref_squeeze %dma_start3A_157 : memref<1x16xf32, #tpu.memory_space<hbm>> -> memref<16xf32, #tpu.memory_space<hbm>>
        %dma_start3A_159 = arith.constant 10240 : i32
        %dma_start3A_160 = tpu.memref_slice %arg5[%run_scoped3A, %dma_start3A_159] : memref<4x10256xf32, #tpu.memory_space<hbm>> -> memref<1x16xf32, #tpu.memory_space<hbm>>
        %dma_start3A_161 = tpu.memref_squeeze %dma_start3A_160 : memref<1x16xf32, #tpu.memory_space<hbm>> -> memref<16xf32, #tpu.memory_space<hbm>>
        tpu.enqueue_dma source(%arg11 : memref<16xf32, #tpu.memory_space<vmem>>) target(%dma_start3A_161 : memref<16xf32, #tpu.memory_space<hbm>>) target_semaphore(%run_scoped3A_156 : memref<!tpu.dma_semaphore, #tpu.memory_space<semaphore_mem>>)
        %dma_wait3A = arith.constant 10240 : i32
        %dma_wait3A_162 = tpu.memref_slice %arg5[%run_scoped3A, %dma_wait3A] : memref<4x10256xf32, #tpu.memory_space<hbm>> -> memref<1x16xf32, #tpu.memory_space<hbm>>
        %dma_wait3A_163 = tpu.memref_squeeze %dma_wait3A_162 : memref<1x16xf32, #tpu.memory_space<hbm>> -> memref<16xf32, #tpu.memory_space<hbm>>
        %dma_wait3A_164 = arith.constant 10240 : i32
        %dma_wait3A_165 = tpu.memref_slice %arg5[%run_scoped3A, %dma_wait3A_164] : memref<4x10256xf32, #tpu.memory_space<hbm>> -> memref<1x16xf32, #tpu.memory_space<hbm>>
        %dma_wait3A_166 = tpu.memref_squeeze %dma_wait3A_165 : memref<1x16xf32, #tpu.memory_space<hbm>> -> memref<16xf32, #tpu.memory_space<hbm>>
        tpu.wait_dma2 semaphore(%run_scoped3A_156 : memref<!tpu.dma_semaphore, #tpu.memory_space<semaphore_mem>>) src(%arg11 : memref<16xf32, #tpu.memory_space<vmem>>) dst(%dma_wait3A_166 : memref<16xf32, #tpu.memory_space<hbm>>)
        tpu.yield
      }) : () -> ()
      %run_scoped3A_149 = arith.constant 0 : i32
      "tpu.region"() ({
        %run_scoped3A_156 = tpu.sem_alloc : memref<!tpu.dma_semaphore, #tpu.memory_space<semaphore_mem>>
        %dma_start3A = arith.constant 10240 : i32
        %dma_start3A_157 = tpu.memref_slice %arg6[%run_scoped3A_149, %dma_start3A] : memref<4x10256xi32, #tpu.memory_space<hbm>> -> memref<1x16xi32, #tpu.memory_space<hbm>>
        %dma_start3A_158 = tpu.memref_squeeze %dma_start3A_157 : memref<1x16xi32, #tpu.memory_space<hbm>> -> memref<16xi32, #tpu.memory_space<hbm>>
        %dma_start3A_159 = arith.constant 10240 : i32
        %dma_start3A_160 = tpu.memref_slice %arg6[%run_scoped3A_149, %dma_start3A_159] : memref<4x10256xi32, #tpu.memory_space<hbm>> -> memref<1x16xi32, #tpu.memory_space<hbm>>
        %dma_start3A_161 = tpu.memref_squeeze %dma_start3A_160 : memref<1x16xi32, #tpu.memory_space<hbm>> -> memref<16xi32, #tpu.memory_space<hbm>>
        tpu.enqueue_dma source(%arg12 : memref<16xi32, #tpu.memory_space<vmem>>) target(%dma_start3A_161 : memref<16xi32, #tpu.memory_space<hbm>>) target_semaphore(%run_scoped3A_156 : memref<!tpu.dma_semaphore, #tpu.memory_space<semaphore_mem>>)
        %dma_wait3A = arith.constant 10240 : i32
        %dma_wait3A_162 = tpu.memref_slice %arg6[%run_scoped3A_149, %dma_wait3A] : memref<4x10256xi32, #tpu.memory_space<hbm>> -> memref<1x16xi32, #tpu.memory_space<hbm>>
        %dma_wait3A_163 = tpu.memref_squeeze %dma_wait3A_162 : memref<1x16xi32, #tpu.memory_space<hbm>> -> memref<16xi32, #tpu.memory_space<hbm>>
        %dma_wait3A_164 = arith.constant 10240 : i32
        %dma_wait3A_165 = tpu.memref_slice %arg6[%run_scoped3A_149, %dma_wait3A_164] : memref<4x10256xi32, #tpu.memory_space<hbm>> -> memref<1x16xi32, #tpu.memory_space<hbm>>
        %dma_wait3A_166 = tpu.memref_squeeze %dma_wait3A_165 : memref<1x16xi32, #tpu.memory_space<hbm>> -> memref<16xi32, #tpu.memory_space<hbm>>
        tpu.wait_dma2 semaphore(%run_scoped3A_156 : memref<!tpu.dma_semaphore, #tpu.memory_space<semaphore_mem>>) src(%arg12 : memref<16xi32, #tpu.memory_space<vmem>>) dst(%dma_wait3A_166 : memref<16xi32, #tpu.memory_space<hbm>>)
        tpu.yield
      }) : () -> ()
      %run_scoped3A_150 = arith.constant 1 : i32
      "tpu.region"() ({
        %run_scoped3A_156 = tpu.sem_alloc : memref<!tpu.dma_semaphore, #tpu.memory_space<semaphore_mem>>
        %dma_start3A = arith.constant 10240 : i32
        %dma_start3A_157 = tpu.memref_slice %arg5[%run_scoped3A_150, %dma_start3A] : memref<4x10256xf32, #tpu.memory_space<hbm>> -> memref<1x16xf32, #tpu.memory_space<hbm>>
        %dma_start3A_158 = tpu.memref_squeeze %dma_start3A_157 : memref<1x16xf32, #tpu.memory_space<hbm>> -> memref<16xf32, #tpu.memory_space<hbm>>
        %dma_start3A_159 = arith.constant 10240 : i32
        %dma_start3A_160 = tpu.memref_slice %arg5[%run_scoped3A_150, %dma_start3A_159] : memref<4x10256xf32, #tpu.memory_space<hbm>> -> memref<1x16xf32, #tpu.memory_space<hbm>>
        %dma_start3A_161 = tpu.memref_squeeze %dma_start3A_160 : memref<1x16xf32, #tpu.memory_space<hbm>> -> memref<16xf32, #tpu.memory_space<hbm>>
        tpu.enqueue_dma source(%arg11 : memref<16xf32, #tpu.memory_space<vmem>>) target(%dma_start3A_161 : memref<16xf32, #tpu.memory_space<hbm>>) target_semaphore(%run_scoped3A_156 : memref<!tpu.dma_semaphore, #tpu.memory_space<semaphore_mem>>)
        %dma_wait3A = arith.constant 10240 : i32
        %dma_wait3A_162 = tpu.memref_slice %arg5[%run_scoped3A_150, %dma_wait3A] : memref<4x10256xf32, #tpu.memory_space<hbm>> -> memref<1x16xf32, #tpu.memory_space<hbm>>
        %dma_wait3A_163 = tpu.memref_squeeze %dma_wait3A_162 : memref<1x16xf32, #tpu.memory_space<hbm>> -> memref<16xf32, #tpu.memory_space<hbm>>
        %dma_wait3A_164 = arith.constant 10240 : i32
        %dma_wait3A_165 = tpu.memref_slice %arg5[%run_scoped3A_150, %dma_wait3A_164] : memref<4x10256xf32, #tpu.memory_space<hbm>> -> memref<1x16xf32, #tpu.memory_space<hbm>>
        %dma_wait3A_166 = tpu.memref_squeeze %dma_wait3A_165 : memref<1x16xf32, #tpu.memory_space<hbm>> -> memref<16xf32, #tpu.memory_space<hbm>>
        tpu.wait_dma2 semaphore(%run_scoped3A_156 : memref<!tpu.dma_semaphore, #tpu.memory_space<semaphore_mem>>) src(%arg11 : memref<16xf32, #tpu.memory_space<vmem>>) dst(%dma_wait3A_166 : memref<16xf32, #tpu.memory_space<hbm>>)
        tpu.yield
      }) : () -> ()
      %run_scoped3A_151 = arith.constant 1 : i32
      "tpu.region"() ({
        %run_scoped3A_156 = tpu.sem_alloc : memref<!tpu.dma_semaphore, #tpu.memory_space<semaphore_mem>>
        %dma_start3A = arith.constant 10240 : i32
        %dma_start3A_157 = tpu.memref_slice %arg6[%run_scoped3A_151, %dma_start3A] : memref<4x10256xi32, #tpu.memory_space<hbm>> -> memref<1x16xi32, #tpu.memory_space<hbm>>
        %dma_start3A_158 = tpu.memref_squeeze %dma_start3A_157 : memref<1x16xi32, #tpu.memory_space<hbm>> -> memref<16xi32, #tpu.memory_space<hbm>>
        %dma_start3A_159 = arith.constant 10240 : i32
        %dma_start3A_160 = tpu.memref_slice %arg6[%run_scoped3A_151, %dma_start3A_159] : memref<4x10256xi32, #tpu.memory_space<hbm>> -> memref<1x16xi32, #tpu.memory_space<hbm>>
        %dma_start3A_161 = tpu.memref_squeeze %dma_start3A_160 : memref<1x16xi32, #tpu.memory_space<hbm>> -> memref<16xi32, #tpu.memory_space<hbm>>
        tpu.enqueue_dma source(%arg12 : memref<16xi32, #tpu.memory_space<vmem>>) target(%dma_start3A_161 : memref<16xi32, #tpu.memory_space<hbm>>) target_semaphore(%run_scoped3A_156 : memref<!tpu.dma_semaphore, #tpu.memory_space<semaphore_mem>>)
        %dma_wait3A = arith.constant 10240 : i32
        %dma_wait3A_162 = tpu.memref_slice %arg6[%run_scoped3A_151, %dma_wait3A] : memref<4x10256xi32, #tpu.memory_space<hbm>> -> memref<1x16xi32, #tpu.memory_space<hbm>>
        %dma_wait3A_163 = tpu.memref_squeeze %dma_wait3A_162 : memref<1x16xi32, #tpu.memory_space<hbm>> -> memref<16xi32, #tpu.memory_space<hbm>>
        %dma_wait3A_164 = arith.constant 10240 : i32
        %dma_wait3A_165 = tpu.memref_slice %arg6[%run_scoped3A_151, %dma_wait3A_164] : memref<4x10256xi32, #tpu.memory_space<hbm>> -> memref<1x16xi32, #tpu.memory_space<hbm>>
        %dma_wait3A_166 = tpu.memref_squeeze %dma_wait3A_165 : memref<1x16xi32, #tpu.memory_space<hbm>> -> memref<16xi32, #tpu.memory_space<hbm>>
        tpu.wait_dma2 semaphore(%run_scoped3A_156 : memref<!tpu.dma_semaphore, #tpu.memory_space<semaphore_mem>>) src(%arg12 : memref<16xi32, #tpu.memory_space<vmem>>) dst(%dma_wait3A_166 : memref<16xi32, #tpu.memory_space<hbm>>)
        tpu.yield
      }) : () -> ()
      %run_scoped3A_152 = arith.constant 2 : i32
      "tpu.region"() ({
        %run_scoped3A_156 = tpu.sem_alloc : memref<!tpu.dma_semaphore, #tpu.memory_space<semaphore_mem>>
        %dma_start3A = arith.constant 10240 : i32
        %dma_start3A_157 = tpu.memref_slice %arg5[%run_scoped3A_152, %dma_start3A] : memref<4x10256xf32, #tpu.memory_space<hbm>> -> memref<1x16xf32, #tpu.memory_space<hbm>>
        %dma_start3A_158 = tpu.memref_squeeze %dma_start3A_157 : memref<1x16xf32, #tpu.memory_space<hbm>> -> memref<16xf32, #tpu.memory_space<hbm>>
        %dma_start3A_159 = arith.constant 10240 : i32
        %dma_start3A_160 = tpu.memref_slice %arg5[%run_scoped3A_152, %dma_start3A_159] : memref<4x10256xf32, #tpu.memory_space<hbm>> -> memref<1x16xf32, #tpu.memory_space<hbm>>
        %dma_start3A_161 = tpu.memref_squeeze %dma_start3A_160 : memref<1x16xf32, #tpu.memory_space<hbm>> -> memref<16xf32, #tpu.memory_space<hbm>>
        tpu.enqueue_dma source(%arg11 : memref<16xf32, #tpu.memory_space<vmem>>) target(%dma_start3A_161 : memref<16xf32, #tpu.memory_space<hbm>>) target_semaphore(%run_scoped3A_156 : memref<!tpu.dma_semaphore, #tpu.memory_space<semaphore_mem>>)
        %dma_wait3A = arith.constant 10240 : i32
        %dma_wait3A_162 = tpu.memref_slice %arg5[%run_scoped3A_152, %dma_wait3A] : memref<4x10256xf32, #tpu.memory_space<hbm>> -> memref<1x16xf32, #tpu.memory_space<hbm>>
        %dma_wait3A_163 = tpu.memref_squeeze %dma_wait3A_162 : memref<1x16xf32, #tpu.memory_space<hbm>> -> memref<16xf32, #tpu.memory_space<hbm>>
        %dma_wait3A_164 = arith.constant 10240 : i32
        %dma_wait3A_165 = tpu.memref_slice %arg5[%run_scoped3A_152, %dma_wait3A_164] : memref<4x10256xf32, #tpu.memory_space<hbm>> -> memref<1x16xf32, #tpu.memory_space<hbm>>
        %dma_wait3A_166 = tpu.memref_squeeze %dma_wait3A_165 : memref<1x16xf32, #tpu.memory_space<hbm>> -> memref<16xf32, #tpu.memory_space<hbm>>
        tpu.wait_dma2 semaphore(%run_scoped3A_156 : memref<!tpu.dma_semaphore, #tpu.memory_space<semaphore_mem>>) src(%arg11 : memref<16xf32, #tpu.memory_space<vmem>>) dst(%dma_wait3A_166 : memref<16xf32, #tpu.memory_space<hbm>>)
        tpu.yield
      }) : () -> ()
      %run_scoped3A_153 = arith.constant 2 : i32
      "tpu.region"() ({
        %run_scoped3A_156 = tpu.sem_alloc : memref<!tpu.dma_semaphore, #tpu.memory_space<semaphore_mem>>
        %dma_start3A = arith.constant 10240 : i32
        %dma_start3A_157 = tpu.memref_slice %arg6[%run_scoped3A_153, %dma_start3A] : memref<4x10256xi32, #tpu.memory_space<hbm>> -> memref<1x16xi32, #tpu.memory_space<hbm>>
        %dma_start3A_158 = tpu.memref_squeeze %dma_start3A_157 : memref<1x16xi32, #tpu.memory_space<hbm>> -> memref<16xi32, #tpu.memory_space<hbm>>
        %dma_start3A_159 = arith.constant 10240 : i32
        %dma_start3A_160 = tpu.memref_slice %arg6[%run_scoped3A_153, %dma_start3A_159] : memref<4x10256xi32, #tpu.memory_space<hbm>> -> memref<1x16xi32, #tpu.memory_space<hbm>>
        %dma_start3A_161 = tpu.memref_squeeze %dma_start3A_160 : memref<1x16xi32, #tpu.memory_space<hbm>> -> memref<16xi32, #tpu.memory_space<hbm>>
        tpu.enqueue_dma source(%arg12 : memref<16xi32, #tpu.memory_space<vmem>>) target(%dma_start3A_161 : memref<16xi32, #tpu.memory_space<hbm>>) target_semaphore(%run_scoped3A_156 : memref<!tpu.dma_semaphore, #tpu.memory_space<semaphore_mem>>)
        %dma_wait3A = arith.constant 10240 : i32
        %dma_wait3A_162 = tpu.memref_slice %arg6[%run_scoped3A_153, %dma_wait3A] : memref<4x10256xi32, #tpu.memory_space<hbm>> -> memref<1x16xi32, #tpu.memory_space<hbm>>
        %dma_wait3A_163 = tpu.memref_squeeze %dma_wait3A_162 : memref<1x16xi32, #tpu.memory_space<hbm>> -> memref<16xi32, #tpu.memory_space<hbm>>
        %dma_wait3A_164 = arith.constant 10240 : i32
        %dma_wait3A_165 = tpu.memref_slice %arg6[%run_scoped3A_153, %dma_wait3A_164] : memref<4x10256xi32, #tpu.memory_space<hbm>> -> memref<1x16xi32, #tpu.memory_space<hbm>>
        %dma_wait3A_166 = tpu.memref_squeeze %dma_wait3A_165 : memref<1x16xi32, #tpu.memory_space<hbm>> -> memref<16xi32, #tpu.memory_space<hbm>>
        tpu.wait_dma2 semaphore(%run_scoped3A_156 : memref<!tpu.dma_semaphore, #tpu.memory_space<semaphore_mem>>) src(%arg12 : memref<16xi32, #tpu.memory_space<vmem>>) dst(%dma_wait3A_166 : memref<16xi32, #tpu.memory_space<hbm>>)
        tpu.yield
      }) : () -> ()
      %run_scoped3A_154 = arith.constant 3 : i32
      "tpu.region"() ({
        %run_scoped3A_156 = tpu.sem_alloc : memref<!tpu.dma_semaphore, #tpu.memory_space<semaphore_mem>>
        %dma_start3A = arith.constant 10240 : i32
        %dma_start3A_157 = tpu.memref_slice %arg5[%run_scoped3A_154, %dma_start3A] : memref<4x10256xf32, #tpu.memory_space<hbm>> -> memref<1x16xf32, #tpu.memory_space<hbm>>
        %dma_start3A_158 = tpu.memref_squeeze %dma_start3A_157 : memref<1x16xf32, #tpu.memory_space<hbm>> -> memref<16xf32, #tpu.memory_space<hbm>>
        %dma_start3A_159 = arith.constant 10240 : i32
        %dma_start3A_160 = tpu.memref_slice %arg5[%run_scoped3A_154, %dma_start3A_159] : memref<4x10256xf32, #tpu.memory_space<hbm>> -> memref<1x16xf32, #tpu.memory_space<hbm>>
        %dma_start3A_161 = tpu.memref_squeeze %dma_start3A_160 : memref<1x16xf32, #tpu.memory_space<hbm>> -> memref<16xf32, #tpu.memory_space<hbm>>
        tpu.enqueue_dma source(%arg11 : memref<16xf32, #tpu.memory_space<vmem>>) target(%dma_start3A_161 : memref<16xf32, #tpu.memory_space<hbm>>) target_semaphore(%run_scoped3A_156 : memref<!tpu.dma_semaphore, #tpu.memory_space<semaphore_mem>>)
        %dma_wait3A = arith.constant 10240 : i32
        %dma_wait3A_162 = tpu.memref_slice %arg5[%run_scoped3A_154, %dma_wait3A] : memref<4x10256xf32, #tpu.memory_space<hbm>> -> memref<1x16xf32, #tpu.memory_space<hbm>>
        %dma_wait3A_163 = tpu.memref_squeeze %dma_wait3A_162 : memref<1x16xf32, #tpu.memory_space<hbm>> -> memref<16xf32, #tpu.memory_space<hbm>>
        %dma_wait3A_164 = arith.constant 10240 : i32
        %dma_wait3A_165 = tpu.memref_slice %arg5[%run_scoped3A_154, %dma_wait3A_164] : memref<4x10256xf32, #tpu.memory_space<hbm>> -> memref<1x16xf32, #tpu.memory_space<hbm>>
        %dma_wait3A_166 = tpu.memref_squeeze %dma_wait3A_165 : memref<1x16xf32, #tpu.memory_space<hbm>> -> memref<16xf32, #tpu.memory_space<hbm>>
        tpu.wait_dma2 semaphore(%run_scoped3A_156 : memref<!tpu.dma_semaphore, #tpu.memory_space<semaphore_mem>>) src(%arg11 : memref<16xf32, #tpu.memory_space<vmem>>) dst(%dma_wait3A_166 : memref<16xf32, #tpu.memory_space<hbm>>)
        tpu.yield
      }) : () -> ()
      %run_scoped3A_155 = arith.constant 3 : i32
      "tpu.region"() ({
        %run_scoped3A_156 = tpu.sem_alloc : memref<!tpu.dma_semaphore, #tpu.memory_space<semaphore_mem>>
        %dma_start3A = arith.constant 10240 : i32
        %dma_start3A_157 = tpu.memref_slice %arg6[%run_scoped3A_155, %dma_start3A] : memref<4x10256xi32, #tpu.memory_space<hbm>> -> memref<1x16xi32, #tpu.memory_space<hbm>>
        %dma_start3A_158 = tpu.memref_squeeze %dma_start3A_157 : memref<1x16xi32, #tpu.memory_space<hbm>> -> memref<16xi32, #tpu.memory_space<hbm>>
        %dma_start3A_159 = arith.constant 10240 : i32
        %dma_start3A_160 = tpu.memref_slice %arg6[%run_scoped3A_155, %dma_start3A_159] : memref<4x10256xi32, #tpu.memory_space<hbm>> -> memref<1x16xi32, #tpu.memory_space<hbm>>
        %dma_start3A_161 = tpu.memref_squeeze %dma_start3A_160 : memref<1x16xi32, #tpu.memory_space<hbm>> -> memref<16xi32, #tpu.memory_space<hbm>>
        tpu.enqueue_dma source(%arg12 : memref<16xi32, #tpu.memory_space<vmem>>) target(%dma_start3A_161 : memref<16xi32, #tpu.memory_space<hbm>>) target_semaphore(%run_scoped3A_156 : memref<!tpu.dma_semaphore, #tpu.memory_space<semaphore_mem>>)
        %dma_wait3A = arith.constant 10240 : i32
        %dma_wait3A_162 = tpu.memref_slice %arg6[%run_scoped3A_155, %dma_wait3A] : memref<4x10256xi32, #tpu.memory_space<hbm>> -> memref<1x16xi32, #tpu.memory_space<hbm>>
        %dma_wait3A_163 = tpu.memref_squeeze %dma_wait3A_162 : memref<1x16xi32, #tpu.memory_space<hbm>> -> memref<16xi32, #tpu.memory_space<hbm>>
        %dma_wait3A_164 = arith.constant 10240 : i32
        %dma_wait3A_165 = tpu.memref_slice %arg6[%run_scoped3A_155, %dma_wait3A_164] : memref<4x10256xi32, #tpu.memory_space<hbm>> -> memref<1x16xi32, #tpu.memory_space<hbm>>
        %dma_wait3A_166 = tpu.memref_squeeze %dma_wait3A_165 : memref<1x16xi32, #tpu.memory_space<hbm>> -> memref<16xi32, #tpu.memory_space<hbm>>
        tpu.wait_dma2 semaphore(%run_scoped3A_156 : memref<!tpu.dma_semaphore, #tpu.memory_space<semaphore_mem>>) src(%arg12 : memref<16xi32, #tpu.memory_space<vmem>>) dst(%dma_wait3A_166 : memref<16xi32, #tpu.memory_space<hbm>>)
        tpu.yield
      }) : () -> ()
    } else {
    }
    return
  }
}

module attributes {stable_mosaic.version = 14 : i64} {
  func.func @_stream_body(%arg0: i32, %arg1: i32, %arg2: memref<1x2048x768xf32, #tpu.memory_space<vmem>>, %arg3: memref<8x768xf32, #tpu.memory_space<vmem>>, %arg4: memref<16x768xf32, #tpu.memory_space<vmem>>, %arg5: memref<4x10241x768xf32, #tpu.memory_space<any>>, %arg6: memref<4x12x10241xf32, #tpu.memory_space<any>>, %arg7: memref<1x2048x768xf32, #tpu.memory_space<vmem>>, %arg8: memref<1x12x2048xf32, #tpu.memory_space<vmem>>) attributes {dimension_semantics = [#tpu.dimension_semantics<arbitrary>, #tpu.dimension_semantics<arbitrary>], iteration_bounds = array<i64: 4, 2>, scalar_prefetch = 0 : i64, scratch_operands = 0 : i64, tpu.core_type = #tpu.core_type<tc>, window_params = [{transform_indices = @transform_0, window_bounds = array<i64: 1, 2048, 768>}, {pipeline_mode = #tpu.pipeline_mode<synchronous>, transform_indices = @transform_1, window_bounds = array<i64: 8, 768>}, {pipeline_mode = #tpu.pipeline_mode<synchronous>, transform_indices = @transform_2, window_bounds = array<i64: 16, 768>}, {}, {}, {transform_indices = @transform_5, window_bounds = array<i64: 1, 2048, 768>}, {transform_indices = @transform_6, window_bounds = array<i64: 1, 12, 2048>}]} {
    %get3A = arith.constant 0 : index
    %get3A_0 = arith.constant 0 : index
    %get3A_1 = arith.constant 0 : index
    %get3A_2 = vector.load %arg2[%get3A, %get3A_0, %get3A_1] : memref<1x2048x768xf32, #tpu.memory_space<vmem>>, vector<1x2048x768xf32>
    %get3A_3 = vector.shape_cast %get3A_2 : vector<1x2048x768xf32> to vector<2048x768xf32>
    %get3A_4 = arith.constant 0 : index
    %get3A_5 = arith.constant 0 : index
    %get3A_6 = vector.load %arg3[%get3A_4, %get3A_5] : memref<8x768xf32, #tpu.memory_space<vmem>>, vector<1x768xf32>
    %add3A = vector.broadcast %get3A_6 : vector<1x768xf32> to vector<2048x768xf32>
    %add3A_7 = arith.addf %get3A_3, %add3A : vector<2048x768xf32>
    %mul3A = arith.constant 0.899999976 : f32
    %mul3A_8 = vector.broadcast %mul3A : f32 to vector<2048x768xf32>
    %mul3A_9 = arith.mulf %add3A_7, %mul3A_8 : vector<2048x768xf32>
    %swap3A = arith.constant 0 : index
    %swap3A_10 = arith.constant 0 : index
    %swap3A_11 = arith.constant 0 : index
    %swap3A_12 = vector.load %arg7[%swap3A, %swap3A_10, %swap3A_11] : memref<1x2048x768xf32, #tpu.memory_space<vmem>>, vector<1x2048x768xf32>
    %swap3A_13 = vector.shape_cast %swap3A_12 : vector<1x2048x768xf32> to vector<2048x768xf32>
    %swap3A_14 = vector.shape_cast %mul3A_9 : vector<2048x768xf32> to vector<1x2048x768xf32>
    tpu.vector_store %arg7[%swap3A, %swap3A_10, %swap3A_11], %swap3A_14 {strides = array<i32>} : memref<1x2048x768xf32, #tpu.memory_space<vmem>>, vector<1x2048x768xf32>,
    %get3A_15 = arith.constant 0 : index
    %get3A_16 = arith.constant 0 : index
    %get3A_17 = vector.load %arg4[%get3A_15, %get3A_16] : memref<16x768xf32, #tpu.memory_space<vmem>>, vector<16x768xf32>
    %mul3A_18 = arith.mulf %mul3A_9, %mul3A_9 : vector<2048x768xf32>
    %dot_general3A = arith.constant dense<0.000000e+00> : vector<16x2048xf32>
    %dot_general3A_19 = tpu.matmul %get3A_17, %mul3A_18, %dot_general3A {dimension_numbers = #tpu.dot_dimension_numbers<[1], [1], [0], [0], [0, 0, 1, 0], [], []>, precision = #tpu.contract_precision<fp32>, transpose_lhs_hint = false} : vector<16x768xf32>, vector<2048x768xf32>, vector<16x2048xf32> -> vector<16x2048xf32>
    %slice3A = vector.extract_strided_slice %dot_general3A_19 {offsets = [0, 0], sizes = [12, 2048], strides = [1, 1]} : vector<16x2048xf32> to vector<12x2048xf32>
    %sqrt3A = math.sqrt %slice3A : vector<12x2048xf32>
    %swap3A_20 = arith.constant 0 : index
    %swap3A_21 = arith.constant 0 : index
    %swap3A_22 = arith.constant 0 : index
    %swap3A_23 = vector.load %arg8[%swap3A_20, %swap3A_21, %swap3A_22] : memref<1x12x2048xf32, #tpu.memory_space<vmem>>, vector<1x12x2048xf32>
    %swap3A_24 = vector.shape_cast %swap3A_23 : vector<1x12x2048xf32> to vector<12x2048xf32>
    %swap3A_25 = vector.shape_cast %sqrt3A : vector<12x2048xf32> to vector<1x12x2048xf32>
    tpu.vector_store %arg8[%swap3A_20, %swap3A_21, %swap3A_22], %swap3A_25 {strides = array<i32>} : memref<1x12x2048xf32, #tpu.memory_space<vmem>>, vector<1x12x2048xf32>,
    return
  }
  func.func @transform_0(%arg0: i32, %arg1: i32) -> (i32, i32, i32) {
    %c0_i32 = arith.constant 0 : i32
    %c0_i32_0 = arith.constant 0 : i32
    return %arg0, %arg1, %c0_i32 : i32, i32, i32
  }
  func.func @transform_1(%arg0: i32, %arg1: i32) -> (i32, i32) {
    %c0_i32 = arith.constant 0 : i32
    %c0_i32_0 = arith.constant 0 : i32
    %c0_i32_1 = arith.constant 0 : i32
    return %c0_i32, %c0_i32_0 : i32, i32
  }
  func.func @transform_2(%arg0: i32, %arg1: i32) -> (i32, i32) {
    %c0_i32 = arith.constant 0 : i32
    %c0_i32_0 = arith.constant 0 : i32
    %c0_i32_1 = arith.constant 0 : i32
    return %c0_i32, %c0_i32_0 : i32, i32
  }
  func.func @transform_5(%arg0: i32, %arg1: i32) -> (i32, i32, i32) {
    %add3A = arith.constant 2 : i32
    %add3A_0 = arith.addi %add3A, %arg1 : i32
    %c0_i32 = arith.constant 0 : i32
    %c0_i32_1 = arith.constant 0 : i32
    return %arg0, %add3A_0, %c0_i32 : i32, i32, i32
  }
  func.func @transform_6(%arg0: i32, %arg1: i32) -> (i32, i32, i32) {
    %add3A = arith.constant 2 : i32
    %add3A_0 = arith.addi %add3A, %arg1 : i32
    %c0_i32 = arith.constant 0 : i32
    %c0_i32_1 = arith.constant 0 : i32
    return %arg0, %c0_i32, %add3A_0 : i32, i32, i32
  }
}

module attributes {stable_mosaic.version = 14 : i64} {
  func.func @_stream_body(%arg0: i32, %arg1: i32, %arg2: memref<1x2048x768xf32, #tpu.memory_space<vmem>>, %arg3: memref<8x768xf32, #tpu.memory_space<vmem>>, %arg4: memref<16x768xf32, #tpu.memory_space<vmem>>, %arg5: memref<1x2048x768xf32, #tpu.memory_space<vmem>>, %arg6: memref<1x12x2048xf32, #tpu.memory_space<vmem>>) attributes {dimension_semantics = [#tpu.dimension_semantics<arbitrary>, #tpu.dimension_semantics<arbitrary>], iteration_bounds = array<i64: 4, 2>, scalar_prefetch = 0 : i64, scratch_operands = 0 : i64, tpu.core_type = #tpu.core_type<tc>, window_params = [{transform_indices = @transform_0, window_bounds = array<i64: 1, 2048, 768>}, {pipeline_mode = #tpu.pipeline_mode<synchronous>, transform_indices = @transform_1, window_bounds = array<i64: 8, 768>}, {pipeline_mode = #tpu.pipeline_mode<synchronous>, transform_indices = @transform_2, window_bounds = array<i64: 16, 768>}, {transform_indices = @transform_3, window_bounds = array<i64: 1, 2048, 768>}, {transform_indices = @transform_4, window_bounds = array<i64: 1, 12, 2048>}]} {
    %get3A = arith.constant 0 : index
    %get3A_0 = arith.constant 0 : index
    %get3A_1 = arith.constant 0 : index
    %get3A_2 = vector.load %arg2[%get3A, %get3A_0, %get3A_1] : memref<1x2048x768xf32, #tpu.memory_space<vmem>>, vector<1x2048x768xf32>
    %get3A_3 = vector.shape_cast %get3A_2 : vector<1x2048x768xf32> to vector<2048x768xf32>
    %get3A_4 = arith.constant 0 : index
    %get3A_5 = arith.constant 0 : index
    %get3A_6 = vector.load %arg3[%get3A_4, %get3A_5] : memref<8x768xf32, #tpu.memory_space<vmem>>, vector<1x768xf32>
    %add3A = vector.broadcast %get3A_6 : vector<1x768xf32> to vector<2048x768xf32>
    %add3A_7 = arith.addf %get3A_3, %add3A : vector<2048x768xf32>
    %swap3A = arith.constant 0 : index
    %swap3A_8 = arith.constant 0 : index
    %swap3A_9 = arith.constant 0 : index
    %swap3A_10 = vector.load %arg5[%swap3A, %swap3A_8, %swap3A_9] : memref<1x2048x768xf32, #tpu.memory_space<vmem>>, vector<1x2048x768xf32>
    %swap3A_11 = vector.shape_cast %swap3A_10 : vector<1x2048x768xf32> to vector<2048x768xf32>
    %swap3A_12 = vector.shape_cast %add3A_7 : vector<2048x768xf32> to vector<1x2048x768xf32>
    tpu.vector_store %arg5[%swap3A, %swap3A_8, %swap3A_9], %swap3A_12 {strides = array<i32>} : memref<1x2048x768xf32, #tpu.memory_space<vmem>>, vector<1x2048x768xf32>,
    %get3A_13 = arith.constant 0 : index
    %get3A_14 = arith.constant 0 : index
    %get3A_15 = vector.load %arg4[%get3A_13, %get3A_14] : memref<16x768xf32, #tpu.memory_space<vmem>>, vector<16x768xf32>
    %mul3A = arith.mulf %add3A_7, %add3A_7 : vector<2048x768xf32>
    %dot_general3A = arith.constant dense<0.000000e+00> : vector<16x2048xf32>
    %dot_general3A_16 = tpu.matmul %get3A_15, %mul3A, %dot_general3A {dimension_numbers = #tpu.dot_dimension_numbers<[1], [1], [0], [0], [0, 0, 1, 0], [], []>, precision = #tpu.contract_precision<fp32>, transpose_lhs_hint = false} : vector<16x768xf32>, vector<2048x768xf32>, vector<16x2048xf32> -> vector<16x2048xf32>
    %slice3A = vector.extract_strided_slice %dot_general3A_16 {offsets = [0, 0], sizes = [12, 2048], strides = [1, 1]} : vector<16x2048xf32> to vector<12x2048xf32>
    %sqrt3A = math.sqrt %slice3A : vector<12x2048xf32>
    %swap3A_17 = arith.constant 0 : index
    %swap3A_18 = arith.constant 0 : index
    %swap3A_19 = arith.constant 0 : index
    %swap3A_20 = vector.load %arg6[%swap3A_17, %swap3A_18, %swap3A_19] : memref<1x12x2048xf32, #tpu.memory_space<vmem>>, vector<1x12x2048xf32>
    %swap3A_21 = vector.shape_cast %swap3A_20 : vector<1x12x2048xf32> to vector<12x2048xf32>
    %swap3A_22 = vector.shape_cast %sqrt3A : vector<12x2048xf32> to vector<1x12x2048xf32>
    tpu.vector_store %arg6[%swap3A_17, %swap3A_18, %swap3A_19], %swap3A_22 {strides = array<i32>} : memref<1x12x2048xf32, #tpu.memory_space<vmem>>, vector<1x12x2048xf32>,
    return
  }
  func.func @transform_0(%arg0: i32, %arg1: i32) -> (i32, i32, i32) {
    %c0_i32 = arith.constant 0 : i32
    %c0_i32_0 = arith.constant 0 : i32
    return %arg0, %arg1, %c0_i32 : i32, i32, i32
  }
  func.func @transform_1(%arg0: i32, %arg1: i32) -> (i32, i32) {
    %c0_i32 = arith.constant 0 : i32
    %c0_i32_0 = arith.constant 0 : i32
    %c0_i32_1 = arith.constant 0 : i32
    return %c0_i32, %c0_i32_0 : i32, i32
  }
  func.func @transform_2(%arg0: i32, %arg1: i32) -> (i32, i32) {
    %c0_i32 = arith.constant 0 : i32
    %c0_i32_0 = arith.constant 0 : i32
    %c0_i32_1 = arith.constant 0 : i32
    return %c0_i32, %c0_i32_0 : i32, i32
  }
  func.func @transform_3(%arg0: i32, %arg1: i32) -> (i32, i32, i32) {
    %add3A = arith.constant 0 : i32
    %add3A_0 = arith.addi %add3A, %arg1 : i32
    %c0_i32 = arith.constant 0 : i32
    %c0_i32_1 = arith.constant 0 : i32
    return %arg0, %add3A_0, %c0_i32 : i32, i32, i32
  }
  func.func @transform_4(%arg0: i32, %arg1: i32) -> (i32, i32, i32) {
    %add3A = arith.constant 0 : i32
    %add3A_0 = arith.addi %add3A, %arg1 : i32
    %c0_i32 = arith.constant 0 : i32
    %c0_i32_1 = arith.constant 0 : i32
    return %arg0, %c0_i32, %add3A_0 : i32, i32, i32
  }
}

module attributes {stable_mosaic.version = 14 : i64} {
  func.func @_fusion_body(%arg0: i32, %arg1: memref<8x768xf32, #tpu.memory_space<vmem>>, %arg2: memref<16x768xf32, #tpu.memory_space<vmem>>, %arg3: memref<4x10241x768xf32, #tpu.memory_space<any>>, %arg4: memref<4x12x10241xf32, #tpu.memory_space<any>>, %arg5: memref<1x8x768xf32, #tpu.memory_space<vmem>>, %arg6: memref<1x12x128xf32, #tpu.memory_space<vmem>>) attributes {dimension_semantics = [#tpu.dimension_semantics<arbitrary>], iteration_bounds = array<i64: 4>, scalar_prefetch = 0 : i64, scratch_operands = 0 : i64, tpu.core_type = #tpu.core_type<tc>, window_params = [{pipeline_mode = #tpu.pipeline_mode<synchronous>, transform_indices = @transform_0, window_bounds = array<i64: 8, 768>}, {pipeline_mode = #tpu.pipeline_mode<synchronous>, transform_indices = @transform_1, window_bounds = array<i64: 16, 768>}, {}, {}, {transform_indices = @transform_4, window_bounds = array<i64: 1, 8, 768>}, {transform_indices = @transform_5, window_bounds = array<i64: 1, 12, 128>}]} {
    %get3A = arith.constant 0 : index
    %get3A_0 = arith.constant 0 : index
    %get3A_1 = vector.load %arg1[%get3A, %get3A_0] : memref<8x768xf32, #tpu.memory_space<vmem>>, vector<1x768xf32>
    %broadcast_in_dim3A = vector.shape_cast %get3A_1 : vector<1x768xf32> to vector<1x768xf32>
    %broadcast_in_dim3A_2 = vector.broadcast %broadcast_in_dim3A : vector<1x768xf32> to vector<8x768xf32>
    %swap3A = arith.constant 0 : index
    %swap3A_3 = arith.constant 0 : index
    %swap3A_4 = arith.constant 0 : index
    %swap3A_5 = vector.load %arg5[%swap3A, %swap3A_3, %swap3A_4] : memref<1x8x768xf32, #tpu.memory_space<vmem>>, vector<1x8x768xf32>
    %swap3A_6 = vector.shape_cast %swap3A_5 : vector<1x8x768xf32> to vector<8x768xf32>
    %swap3A_7 = vector.shape_cast %broadcast_in_dim3A_2 : vector<8x768xf32> to vector<1x8x768xf32>
    tpu.vector_store %arg5[%swap3A, %swap3A_3, %swap3A_4], %swap3A_7 {strides = array<i32>} : memref<1x8x768xf32, #tpu.memory_space<vmem>>, vector<1x8x768xf32>,
    %get3A_8 = arith.constant 0 : index
    %get3A_9 = arith.constant 0 : index
    %get3A_10 = vector.load %arg2[%get3A_8, %get3A_9] : memref<16x768xf32, #tpu.memory_space<vmem>>, vector<16x768xf32>
    %mul3A = arith.mulf %get3A_1, %get3A_1 : vector<1x768xf32>
    %dot_general3A = arith.constant dense<0.000000e+00> : vector<16x1xf32>
    %dot_general3A_11 = tpu.matmul %get3A_10, %mul3A, %dot_general3A {dimension_numbers = #tpu.dot_dimension_numbers<[1], [1], [0], [0], [0, 0, 1, 0], [], []>, precision = #tpu.contract_precision<fp32>, transpose_lhs_hint = false} : vector<16x768xf32>, vector<1x768xf32>, vector<16x1xf32> -> vector<16x1xf32>
    %slice3A = vector.extract_strided_slice %dot_general3A_11 {offsets = [0, 0], sizes = [12, 1], strides = [1, 1]} : vector<16x1xf32> to vector<12x1xf32>
    %sqrt3A = math.sqrt %slice3A : vector<12x1xf32>
    %broadcast_in_dim3A_12 = vector.shape_cast %sqrt3A : vector<12x1xf32> to vector<12x1xf32>
    %broadcast_in_dim3A_13 = vector.broadcast %broadcast_in_dim3A_12 : vector<12x1xf32> to vector<12x128xf32>
    %swap3A_14 = arith.constant 0 : index
    %swap3A_15 = arith.constant 0 : index
    %swap3A_16 = arith.constant 0 : index
    %swap3A_17 = vector.load %arg6[%swap3A_14, %swap3A_15, %swap3A_16] : memref<1x12x128xf32, #tpu.memory_space<vmem>>, vector<1x12x128xf32>
    %swap3A_18 = vector.shape_cast %swap3A_17 : vector<1x12x128xf32> to vector<12x128xf32>
    %swap3A_19 = vector.shape_cast %broadcast_in_dim3A_13 : vector<12x128xf32> to vector<1x12x128xf32>
    tpu.vector_store %arg6[%swap3A_14, %swap3A_15, %swap3A_16], %swap3A_19 {strides = array<i32>} : memref<1x12x128xf32, #tpu.memory_space<vmem>>, vector<1x12x128xf32>,
    return
  }
  func.func @transform_0(%arg0: i32) -> (i32, i32) {
    %c0_i32 = arith.constant 0 : i32
    %c0_i32_0 = arith.constant 0 : i32
    %c0_i32_1 = arith.constant 0 : i32
    return %c0_i32, %c0_i32_0 : i32, i32
  }
  func.func @transform_1(%arg0: i32) -> (i32, i32) {
    %c0_i32 = arith.constant 0 : i32
    %c0_i32_0 = arith.constant 0 : i32
    %c0_i32_1 = arith.constant 0 : i32
    return %c0_i32, %c0_i32_0 : i32, i32
  }
  func.func @transform_4(%arg0: i32) -> (i32, i32, i32) {
    %c1280_i32 = arith.constant 1280 : i32
    %c0_i32 = arith.constant 0 : i32
    %c0_i32_0 = arith.constant 0 : i32
    return %arg0, %c1280_i32, %c0_i32 : i32, i32, i32
  }
  func.func @transform_5(%arg0: i32) -> (i32, i32, i32) {
    %c0_i32 = arith.constant 0 : i32
    %c80_i32 = arith.constant 80 : i32
    %c0_i32_0 = arith.constant 0 : i32
    return %arg0, %c0_i32, %c80_i32 : i32, i32, i32
  }
}

module attributes {stable_mosaic.version = 14 : i64} {
  func.func @_stream_body(%arg0: i32, %arg1: i32, %arg2: memref<1x2048x768xf32, #tpu.memory_space<vmem>>, %arg3: memref<8x768xf32, #tpu.memory_space<vmem>>, %arg4: memref<16x768xf32, #tpu.memory_space<vmem>>, %arg5: memref<4x10241x768xf32, #tpu.memory_space<any>>, %arg6: memref<4x12x10241xf32, #tpu.memory_space<any>>, %arg7: memref<1x2048x768xf32, #tpu.memory_space<vmem>>, %arg8: memref<1x12x2048xf32, #tpu.memory_space<vmem>>) attributes {dimension_semantics = [#tpu.dimension_semantics<arbitrary>, #tpu.dimension_semantics<arbitrary>], iteration_bounds = array<i64: 4, 1>, scalar_prefetch = 0 : i64, scratch_operands = 0 : i64, tpu.core_type = #tpu.core_type<tc>, window_params = [{transform_indices = @transform_0, window_bounds = array<i64: 1, 2048, 768>}, {pipeline_mode = #tpu.pipeline_mode<synchronous>, transform_indices = @transform_1, window_bounds = array<i64: 8, 768>}, {pipeline_mode = #tpu.pipeline_mode<synchronous>, transform_indices = @transform_2, window_bounds = array<i64: 16, 768>}, {}, {}, {transform_indices = @transform_5, window_bounds = array<i64: 1, 2048, 768>}, {transform_indices = @transform_6, window_bounds = array<i64: 1, 12, 2048>}]} {
    %get3A = arith.constant 0 : index
    %get3A_0 = arith.constant 0 : index
    %get3A_1 = arith.constant 0 : index
    %get3A_2 = vector.load %arg2[%get3A, %get3A_0, %get3A_1] : memref<1x2048x768xf32, #tpu.memory_space<vmem>>, vector<1x2048x768xf32>
    %get3A_3 = vector.shape_cast %get3A_2 : vector<1x2048x768xf32> to vector<2048x768xf32>
    %get3A_4 = arith.constant 0 : index
    %get3A_5 = arith.constant 0 : index
    %get3A_6 = vector.load %arg3[%get3A_4, %get3A_5] : memref<8x768xf32, #tpu.memory_space<vmem>>, vector<1x768xf32>
    %add3A = vector.broadcast %get3A_6 : vector<1x768xf32> to vector<2048x768xf32>
    %add3A_7 = arith.addf %get3A_3, %add3A : vector<2048x768xf32>
    %mul3A = arith.constant 8.000000e-01 : f32
    %mul3A_8 = vector.broadcast %mul3A : f32 to vector<2048x768xf32>
    %mul3A_9 = arith.mulf %add3A_7, %mul3A_8 : vector<2048x768xf32>
    %swap3A = arith.constant 0 : index
    %swap3A_10 = arith.constant 0 : index
    %swap3A_11 = arith.constant 0 : index
    %swap3A_12 = vector.load %arg7[%swap3A, %swap3A_10, %swap3A_11] : memref<1x2048x768xf32, #tpu.memory_space<vmem>>, vector<1x2048x768xf32>
    %swap3A_13 = vector.shape_cast %swap3A_12 : vector<1x2048x768xf32> to vector<2048x768xf32>
    %swap3A_14 = vector.shape_cast %mul3A_9 : vector<2048x768xf32> to vector<1x2048x768xf32>
    tpu.vector_store %arg7[%swap3A, %swap3A_10, %swap3A_11], %swap3A_14 {strides = array<i32>} : memref<1x2048x768xf32, #tpu.memory_space<vmem>>, vector<1x2048x768xf32>,
    %get3A_15 = arith.constant 0 : index
    %get3A_16 = arith.constant 0 : index
    %get3A_17 = vector.load %arg4[%get3A_15, %get3A_16] : memref<16x768xf32, #tpu.memory_space<vmem>>, vector<16x768xf32>
    %mul3A_18 = arith.mulf %mul3A_9, %mul3A_9 : vector<2048x768xf32>
    %dot_general3A = arith.constant dense<0.000000e+00> : vector<16x2048xf32>
    %dot_general3A_19 = tpu.matmul %get3A_17, %mul3A_18, %dot_general3A {dimension_numbers = #tpu.dot_dimension_numbers<[1], [1], [0], [0], [0, 0, 1, 0], [], []>, precision = #tpu.contract_precision<fp32>, transpose_lhs_hint = false} : vector<16x768xf32>, vector<2048x768xf32>, vector<16x2048xf32> -> vector<16x2048xf32>
    %slice3A = vector.extract_strided_slice %dot_general3A_19 {offsets = [0, 0], sizes = [12, 2048], strides = [1, 1]} : vector<16x2048xf32> to vector<12x2048xf32>
    %sqrt3A = math.sqrt %slice3A : vector<12x2048xf32>
    %swap3A_20 = arith.constant 0 : index
    %swap3A_21 = arith.constant 0 : index
    %swap3A_22 = arith.constant 0 : index
    %swap3A_23 = vector.load %arg8[%swap3A_20, %swap3A_21, %swap3A_22] : memref<1x12x2048xf32, #tpu.memory_space<vmem>>, vector<1x12x2048xf32>
    %swap3A_24 = vector.shape_cast %swap3A_23 : vector<1x12x2048xf32> to vector<12x2048xf32>
    %swap3A_25 = vector.shape_cast %sqrt3A : vector<12x2048xf32> to vector<1x12x2048xf32>
    tpu.vector_store %arg8[%swap3A_20, %swap3A_21, %swap3A_22], %swap3A_25 {strides = array<i32>} : memref<1x12x2048xf32, #tpu.memory_space<vmem>>, vector<1x12x2048xf32>,
    return
  }
  func.func @transform_0(%arg0: i32, %arg1: i32) -> (i32, i32, i32) {
    %c0_i32 = arith.constant 0 : i32
    %c0_i32_0 = arith.constant 0 : i32
    return %arg0, %arg1, %c0_i32 : i32, i32, i32
  }
  func.func @transform_1(%arg0: i32, %arg1: i32) -> (i32, i32) {
    %c0_i32 = arith.constant 0 : i32
    %c0_i32_0 = arith.constant 0 : i32
    %c0_i32_1 = arith.constant 0 : i32
    return %c0_i32, %c0_i32_0 : i32, i32
  }
  func.func @transform_2(%arg0: i32, %arg1: i32) -> (i32, i32) {
    %c0_i32 = arith.constant 0 : i32
    %c0_i32_0 = arith.constant 0 : i32
    %c0_i32_1 = arith.constant 0 : i32
    return %c0_i32, %c0_i32_0 : i32, i32
  }
  func.func @transform_5(%arg0: i32, %arg1: i32) -> (i32, i32, i32) {
    %add3A = arith.constant 4 : i32
    %add3A_0 = arith.addi %add3A, %arg1 : i32
    %c0_i32 = arith.constant 0 : i32
    %c0_i32_1 = arith.constant 0 : i32
    return %arg0, %add3A_0, %c0_i32 : i32, i32, i32
  }
  func.func @transform_6(%arg0: i32, %arg1: i32) -> (i32, i32, i32) {
    %add3A = arith.constant 4 : i32
    %add3A_0 = arith.addi %add3A, %arg1 : i32
    %c0_i32 = arith.constant 0 : i32
    %c0_i32_1 = arith.constant 0 : i32
    return %arg0, %c0_i32, %add3A_0 : i32, i32, i32
  }
}

module attributes {stable_mosaic.version = 14 : i64} {
  func.func @_select_body(%arg0: memref<4x12x10241xf32, #tpu.memory_space<vmem>>, %arg1: memref<4x12x10241xi32, #tpu.memory_space<vmem>>) attributes {dimension_semantics = [], scalar_prefetch = 0 : i64, scratch_operands = 0 : i64, tpu.core_type = #tpu.core_type<tc>} {
    %get3A = arith.constant 0 : index
    %get3A_0 = arith.constant 0 : index
    %get3A_1 = arith.constant 0 : index
    %get3A_2 = vector.load %arg0[%get3A, %get3A_0, %get3A_1] : memref<4x12x10241xf32, #tpu.memory_space<vmem>>, vector<4x12x10241xf32>
    %reduce_sum3A = arith.constant dense<0.000000e+00> : vector<4x10241xf32>
    %reduce_sum3A_3 = vector.multi_reduction <add>, %get3A_2, %reduce_sum3A [1] : vector<4x12x10241xf32> to vector<4x10241xf32>
    %broadcast_in_dim3A = vector.shape_cast %reduce_sum3A_3 : vector<4x10241xf32> to vector<4x1x10241xf32>
    %div3A = arith.constant 1.200000e+01 : f32
    %div3A_4 = vector.broadcast %div3A : f32 to vector<4x1x10241xf32>
    %div3A_5 = arith.divf %broadcast_in_dim3A, %div3A_4 : vector<4x1x10241xf32>
    %mul3A = arith.constant 0.699999988 : f32
    %mul3A_6 = vector.broadcast %mul3A : f32 to vector<4x12x10241xf32>
    %mul3A_7 = arith.mulf %mul3A_6, %get3A_2 : vector<4x12x10241xf32>
    %mul3A_8 = arith.constant 3.000000e-01 : f32
    %mul3A_9 = vector.broadcast %mul3A_8 : f32 to vector<4x1x10241xf32>
    %mul3A_10 = arith.mulf %mul3A_9, %div3A_5 : vector<4x1x10241xf32>
    %add3A = vector.broadcast %mul3A_10 : vector<4x1x10241xf32> to vector<4x12x10241xf32>
    %add3A_11 = arith.addf %mul3A_7, %add3A : vector<4x12x10241xf32>
    %bitcast_convert_type3A = tpu.bitcast %add3A_11 : vector<4x12x10241xf32> -> vector<4x12x10241xi32>
    %broadcast_in_dim3A_12 = arith.constant 0 : i32
    %broadcast_in_dim3A_13 = vector.broadcast %broadcast_in_dim3A_12 : i32 to vector<4x12x1xi32>
    %broadcast_in_dim3A_14 = arith.constant 2147483647 : i32
    %broadcast_in_dim3A_15 = vector.broadcast %broadcast_in_dim3A_14 : i32 to vector<4x12x1xi32>
    %scan3A = arith.constant 0 : i32
    %scan3A_16 = arith.constant 31 : i32
    %scan3A_17 = arith.addi %scan3A, %scan3A_16 : i32
    %scan3A_18 = arith.constant 1 : i32
    %scan3A_19:2 = scf.for %scan3A_43 = %scan3A to %scan3A_17 step %scan3A_18 iter_args(%scan3A_44 = %broadcast_in_dim3A_13, %scan3A_45 = %broadcast_in_dim3A_15) -> (vector<4x12x1xi32>, vector<4x12x1xi32>)  : i32 {
      %sub3A_46 = arith.subi %scan3A_45, %scan3A_44 : vector<4x12x1xi32>
      %jit3A = arith.constant 2 : i32
      %div3A_47 = vector.broadcast %jit3A : i32 to vector<4x12x1xi32>
      %div3A_48 = arith.divsi %sub3A_46, %div3A_47 : vector<4x12x1xi32>
      %sign3A = arith.constant 0 : i32
      %sign3A_49 = vector.broadcast %sign3A : i32 to vector<4x12x1xi32>
      %sign3A_50 = arith.cmpi sgt, %sub3A_46, %sign3A_49 : vector<4x12x1xi32>
      %sign3A_51 = arith.extui %sign3A_50 : vector<4x12x1xi1> to vector<4x12x1xi32>
      %sign3A_52 = arith.constant 0 : i32
      %sign3A_53 = vector.broadcast %sign3A_52 : i32 to vector<4x12x1xi32>
      %sign3A_54 = arith.cmpi slt, %sub3A_46, %sign3A_53 : vector<4x12x1xi32>
      %sign3A_55 = arith.extui %sign3A_54 : vector<4x12x1xi1> to vector<4x12x1xi32>
      %sign3A_56 = arith.subi %sign3A_51, %sign3A_55 : vector<4x12x1xi32>
      %sign3A_57 = arith.constant 0 : i32
      %sign3A_58 = arith.cmpi sgt, %jit3A, %sign3A_57 : i32
      %sign3A_59 = arith.extui %sign3A_58 : i1 to i32
      %sign3A_60 = arith.constant 0 : i32
      %sign3A_61 = arith.cmpi slt, %jit3A, %sign3A_60 : i32
      %sign3A_62 = arith.extui %sign3A_61 : i1 to i32
      %sign3A_63 = arith.subi %sign3A_59, %sign3A_62 : i32
      %ne3A = vector.broadcast %sign3A_63 : i32 to vector<4x12x1xi32>
      %ne3A_64 = arith.cmpi ne, %sign3A_56, %ne3A : vector<4x12x1xi32>
      %rem3A = vector.broadcast %jit3A : i32 to vector<4x12x1xi32>
      %rem3A_65 = arith.remsi %sub3A_46, %rem3A : vector<4x12x1xi32>
      %ne3A_66 = arith.constant 0 : i32
      %ne3A_67 = vector.broadcast %ne3A_66 : i32 to vector<4x12x1xi32>
      %ne3A_68 = arith.cmpi ne, %rem3A_65, %ne3A_67 : vector<4x12x1xi32>
      %and3A_69 = arith.andi %ne3A_64, %ne3A_68 : vector<4x12x1xi1>
      %sub3A_70 = arith.constant 1 : i32
      %sub3A_71 = vector.broadcast %sub3A_70 : i32 to vector<4x12x1xi32>
      %sub3A_72 = arith.subi %div3A_48, %sub3A_71 : vector<4x12x1xi32>
      %select_n3A = arith.select %and3A_69, %sub3A_72, %div3A_48 : vector<4x12x1xi1>, vector<4x12x1xi32>
      %add3A_73 = arith.addi %scan3A_44, %select_n3A : vector<4x12x1xi32>
      %ge3A = vector.broadcast %add3A_73 : vector<4x12x1xi32> to vector<4x12x10241xi32>
      %ge3A_74 = arith.cmpi sge, %bitcast_convert_type3A, %ge3A : vector<4x12x10241xi32>
      %convert_element_type3A_75 = arith.extui %ge3A_74 : vector<4x12x10241xi1> to vector<4x12x10241xi32>
      %reduce_sum3A_76 = arith.constant dense<0> : vector<4x12xi32>
      %reduce_sum3A_77 = vector.multi_reduction <add>, %convert_element_type3A_75, %reduce_sum3A_76 [2] : vector<4x12x10241xi32> to vector<4x12xi32>
      %broadcast_in_dim3A_78 = vector.shape_cast %reduce_sum3A_77 : vector<4x12xi32> to vector<4x12x1xi32>
      %ge3A_79 = arith.constant 3379 : i32
      %ge3A_80 = vector.broadcast %ge3A_79 : i32 to vector<4x12x1xi32>
      %ge3A_81 = arith.cmpi sge, %broadcast_in_dim3A_78, %ge3A_80 : vector<4x12x1xi32>
      %select_n3A_82 = arith.select %ge3A_81, %add3A_73, %scan3A_44 : vector<4x12x1xi1>, vector<4x12x1xi32>
      %select_n3A_83 = arith.select %ge3A_81, %scan3A_45, %add3A_73 : vector<4x12x1xi1>, vector<4x12x1xi32>
      scf.yield %select_n3A_82, %select_n3A_83 : vector<4x12x1xi32>, vector<4x12x1xi32>
    }
    %gt3A = vector.broadcast %scan3A_19#0 : vector<4x12x1xi32> to vector<4x12x10241xi32>
    %gt3A_20 = arith.cmpi sgt, %bitcast_convert_type3A, %gt3A : vector<4x12x10241xi32>
    %convert_element_type3A = arith.extui %gt3A_20 : vector<4x12x10241xi1> to vector<4x12x10241xi32>
    %reduce_sum3A_21 = arith.constant dense<0> : vector<4x12xi32>
    %reduce_sum3A_22 = vector.multi_reduction <add>, %convert_element_type3A, %reduce_sum3A_21 [2] : vector<4x12x10241xi32> to vector<4x12xi32>
    %broadcast_in_dim3A_23 = vector.shape_cast %reduce_sum3A_22 : vector<4x12xi32> to vector<4x12x1xi32>
    %sub3A = arith.constant 3379 : i32
    %sub3A_24 = vector.broadcast %sub3A : i32 to vector<4x12x1xi32>
    %sub3A_25 = arith.subi %sub3A_24, %broadcast_in_dim3A_23 : vector<4x12x1xi32>
    %eq3A = vector.broadcast %scan3A_19#0 : vector<4x12x1xi32> to vector<4x12x10241xi32>
    %eq3A_26 = arith.cmpi eq, %bitcast_convert_type3A, %eq3A : vector<4x12x10241xi32>
    %iota3A = tpu.iota {dimensions = array<i32: 2>} : vector<4x12x10241xi32>
    %broadcast_in_dim3A_27 = arith.constant 0 : i32
    %broadcast_in_dim3A_28 = vector.broadcast %broadcast_in_dim3A_27 : i32 to vector<4x12x1xi32>
    %broadcast_in_dim3A_29 = arith.constant 10241 : i32
    %broadcast_in_dim3A_30 = vector.broadcast %broadcast_in_dim3A_29 : i32 to vector<4x12x1xi32>
    %scan3A_31 = arith.constant 0 : i32
    %scan3A_32 = arith.constant 15 : i32
    %scan3A_33 = arith.addi %scan3A_31, %scan3A_32 : i32
    %scan3A_34 = arith.constant 1 : i32
    %scan3A_35:2 = scf.for %scan3A_43 = %scan3A_31 to %scan3A_33 step %scan3A_34 iter_args(%scan3A_44 = %broadcast_in_dim3A_28, %scan3A_45 = %broadcast_in_dim3A_30) -> (vector<4x12x1xi32>, vector<4x12x1xi32>)  : i32 {
      %sub3A_46 = arith.subi %scan3A_45, %scan3A_44 : vector<4x12x1xi32>
      %jit3A = arith.constant 2 : i32
      %div3A_47 = vector.broadcast %jit3A : i32 to vector<4x12x1xi32>
      %div3A_48 = arith.divsi %sub3A_46, %div3A_47 : vector<4x12x1xi32>
      %sign3A = arith.constant 0 : i32
      %sign3A_49 = vector.broadcast %sign3A : i32 to vector<4x12x1xi32>
      %sign3A_50 = arith.cmpi sgt, %sub3A_46, %sign3A_49 : vector<4x12x1xi32>
      %sign3A_51 = arith.extui %sign3A_50 : vector<4x12x1xi1> to vector<4x12x1xi32>
      %sign3A_52 = arith.constant 0 : i32
      %sign3A_53 = vector.broadcast %sign3A_52 : i32 to vector<4x12x1xi32>
      %sign3A_54 = arith.cmpi slt, %sub3A_46, %sign3A_53 : vector<4x12x1xi32>
      %sign3A_55 = arith.extui %sign3A_54 : vector<4x12x1xi1> to vector<4x12x1xi32>
      %sign3A_56 = arith.subi %sign3A_51, %sign3A_55 : vector<4x12x1xi32>
      %sign3A_57 = arith.constant 0 : i32
      %sign3A_58 = arith.cmpi sgt, %jit3A, %sign3A_57 : i32
      %sign3A_59 = arith.extui %sign3A_58 : i1 to i32
      %sign3A_60 = arith.constant 0 : i32
      %sign3A_61 = arith.cmpi slt, %jit3A, %sign3A_60 : i32
      %sign3A_62 = arith.extui %sign3A_61 : i1 to i32
      %sign3A_63 = arith.subi %sign3A_59, %sign3A_62 : i32
      %ne3A = vector.broadcast %sign3A_63 : i32 to vector<4x12x1xi32>
      %ne3A_64 = arith.cmpi ne, %sign3A_56, %ne3A : vector<4x12x1xi32>
      %rem3A = vector.broadcast %jit3A : i32 to vector<4x12x1xi32>
      %rem3A_65 = arith.remsi %sub3A_46, %rem3A : vector<4x12x1xi32>
      %ne3A_66 = arith.constant 0 : i32
      %ne3A_67 = vector.broadcast %ne3A_66 : i32 to vector<4x12x1xi32>
      %ne3A_68 = arith.cmpi ne, %rem3A_65, %ne3A_67 : vector<4x12x1xi32>
      %and3A_69 = arith.andi %ne3A_64, %ne3A_68 : vector<4x12x1xi1>
      %sub3A_70 = arith.constant 1 : i32
      %sub3A_71 = vector.broadcast %sub3A_70 : i32 to vector<4x12x1xi32>
      %sub3A_72 = arith.subi %div3A_48, %sub3A_71 : vector<4x12x1xi32>
      %select_n3A = arith.select %and3A_69, %sub3A_72, %div3A_48 : vector<4x12x1xi1>, vector<4x12x1xi32>
      %add3A_73 = arith.addi %scan3A_44, %select_n3A : vector<4x12x1xi32>
      %lt3A_74 = vector.broadcast %add3A_73 : vector<4x12x1xi32> to vector<4x12x10241xi32>
      %lt3A_75 = arith.cmpi slt, %iota3A, %lt3A_74 : vector<4x12x10241xi32>
      %and3A_76 = arith.andi %eq3A_26, %lt3A_75 : vector<4x12x10241xi1>
      %convert_element_type3A_77 = arith.extui %and3A_76 : vector<4x12x10241xi1> to vector<4x12x10241xi32>
      %reduce_sum3A_78 = arith.constant dense<0> : vector<4x12xi32>
      %reduce_sum3A_79 = vector.multi_reduction <add>, %convert_element_type3A_77, %reduce_sum3A_78 [2] : vector<4x12x10241xi32> to vector<4x12xi32>
      %broadcast_in_dim3A_80 = vector.shape_cast %reduce_sum3A_79 : vector<4x12xi32> to vector<4x12x1xi32>
      %ge3A = arith.cmpi sge, %broadcast_in_dim3A_80, %sub3A_25 : vector<4x12x1xi32>
      %select_n3A_81 = arith.select %ge3A, %scan3A_44, %add3A_73 : vector<4x12x1xi1>, vector<4x12x1xi32>
      %select_n3A_82 = arith.select %ge3A, %add3A_73, %scan3A_45 : vector<4x12x1xi1>, vector<4x12x1xi32>
      scf.yield %select_n3A_81, %select_n3A_82 : vector<4x12x1xi32>, vector<4x12x1xi32>
    }
    %lt3A = vector.broadcast %scan3A_35#1 : vector<4x12x1xi32> to vector<4x12x10241xi32>
    %lt3A_36 = arith.cmpi slt, %iota3A, %lt3A : vector<4x12x10241xi32>
    %and3A = arith.andi %eq3A_26, %lt3A_36 : vector<4x12x10241xi1>
    %or3A = arith.ori %gt3A_20, %and3A : vector<4x12x10241xi1>
    %swap3A = arith.constant 0 : index
    %swap3A_37 = arith.constant 0 : index
    %swap3A_38 = arith.constant 0 : index
    %swap3A_39 = vector.load %arg1[%swap3A, %swap3A_37, %swap3A_38] : memref<4x12x10241xi32, #tpu.memory_space<vmem>>, vector<4x12x10241xi32>
    %swap3A_40 = arith.extui %or3A : vector<4x12x10241xi1> to vector<4x12x10241xi32>
    %swap3A_41 = arith.constant dense<0> : vector<4x12x10241xi32>
    %swap3A_42 = arith.cmpi ne, %swap3A_39, %swap3A_41 : vector<4x12x10241xi32>
    tpu.vector_store %arg1[%swap3A, %swap3A_37, %swap3A_38], %swap3A_40 {strides = array<i32>} : memref<4x12x10241xi32, #tpu.memory_space<vmem>>, vector<4x12x10241xi32>,
    return
  }
}

</mosaic_0001>

<sc_bundles>
// kernel: kernel.8.cloned.1.call-start
scs
__scs_entry_jumppad:
0x0: {  	(pc) =	sbr.rel $0x88, $3  }
0x1: {  	(tag) =	ssettag $0x0;
	lr =	simm.s32 $0x1  }
0x2: {  	[smem:$0x3F99] =	sst lr;
	_ =	strace $0xD0000000  }
0x3: {  	_ = 	snop  }
0x4: {  	_ = 	snop  }
0x5: {  	_ = 	snop  }
0x6: {  	_ = 	snop  }
0x7: {  	_ = 	snop  }
__scs_overlays_trampoline_lowered:
0x8: {  	[smem:$0x3FA8] =	sst s0  }
0x9: {  	[smem:$0x3FA9] =	sst s1  }
0xa: {  	[smem:$0x3FAA] =	sst s2  }
0xb: {  	[smem:$0x3FAB] =	sst s3  }
0xc: {  	[smem:$0x3FAC] =	sst s4  }
0xd: {  	[smem:$0x3FAD] =	sst s5  }
0xe: {  	[smem:$0x3FAE] =	sst s6  }
0xf: {  	[smem:$0x3FAF] =	sst s7  }
0x10: {  	[smem:$0x3FB0] =	sst s8  }
0x11: {  	[smem:$0x3FB1] =	sst s9;
	s0 =	simm.s32 @!p0 $0x0  }
0x12: {  	s1 =	sld [smem:$0x3F97];
	s0 =	simm.s32 @p0 $0x1  }
0x13: {  	[smem:$0x3FB2] =	sst s0;
	s0 =	simm.s32 @!p1 $0x0  }
0x14: {  	s2 =	sld [smem:$0x3F96];
	s0 =	simm.s32 @p1 $0x1  }
0x15: {  	[smem:$0x3FB3] =	sst s0;
	s0 =	simm.s32 @!p2 $0x0  }
0x16: {  	s3 =	sld [smem:$0x3FDB];
	s0 =	simm.s32 @p2 $0x1  }
0x17: {  	s4 =	simm.s32 $0x1BF5;
	[smem:$0x3FB5] =	sst s0  }
0x18: {  	s0 =	sld [smem:$0x3F98];
	_ =	swait.ge [sflag:s4], $0x0  }
0x19: {  	s7 =	sld [smem:$0x3F99]  }
0x1a: {  	s8 =	sadd.s32 $0xFFFFE003, lr  }
0x1b: {  	s9 =	sadd.s32 $0xFFFFFEF7, lr;
	s5 =	simm.s32 $0xFFFFFFFF;
	p2 =	slt.u32 s8, $0xFFFFF086  }
0x1c: {  	p1 =	slt.u32 s9, $0xF7A;
	s5 =	simm.s32 @!p2 $0x0  }
0x1d: {  	s5 =	simm.s32 @p1 $0x1;
	p0 =	seq.s32 s7, s2  }
0x1e: {  	s7 =	smul.u32 @!p0 $0xF7A, s2;
	p2 =	seq.s32 @!p0 s5, $0x0  }
0x1f: {  	s9 =	smul.u32 $0xF7A, s1;
	s8 =	simm.s32 @!p0 $0x1BF5;
	p2 =	por !p2, p0  }
0x20: {  	[sflag:s8] =	ssyncset.s32 @!p0 $0xFFFFF086;
	s6 =	sadd.s32 @!p0 s3, s7;
	s7 =	simm.s32 @!p0 $0x108  }
0x21: {  	s3 =	sadd.s32 s3, s9;
	s6 =	sadd.s32 @!p0 $0x88, s6;
	s7 =	simm.s32 @p2 $0x1082  }
0x22: {  	[simem:s7], [sflag:s8] =	dma.local @!p0 [hbm:s6], $0xF7A  }
0x23: {  	s9 =	sor.u32 $0xD0000000, s2;
	s6 =	simm.s32 $0x108;
	_ =	swait.ge @!p0 [sflag:s8], $0x0  }
0x24: {  	s3 =	sadd.s32 $0x88, s3;
	s6 =	simm.s32 @!p1 $0x1082;
	[sflag:s4] =	ssyncset.s32 $0xFFFFF086  }
0x25: {  	[simem:s6], [sflag:s4] =	dma.local [hbm:s3], $0xF7A  }
0x26: {  	[smem:$0x3F99] =	sst s1;
	(tag) =	ssettag s2;
	_ =	strace s9  }
0x27: {  	s1 =	sld [smem:$0x3FA9]  }
0x28: {  	s2 =	sld [smem:$0x3FAA]  }
0x29: {  	s4 =	sld [smem:$0x3FAC]  }
0x2a: {  	p0 =	seq.s32 s5, $0x0;
	s5 =	sld [smem:$0x3FAD]  }
0x2b: {  	s6 =	sld [smem:$0x3FAE]  }
0x2c: {  	s7 =	sld [smem:$0x3FAF]  }
0x2d: {  	s3 =	simm.s32 $0x108;
	s8 =	sld [smem:$0x3FB0]  }
0x2e: {  	s3 =	simm.s32 @!p0 $0x1082;
	s9 =	sld [smem:$0x3FB1]  }
0x2f: {  	lr =	sadd.s32 s0, s3;
	s0 =	sld [smem:$0x3FA8]  }
0x30: {  	s3 =	sld [smem:$0x3FAB]  }
0x31: {  	[smem:$0x3FB4] =	sst s10  }
0x32: {  	s10 =	sld [smem:$0x3FB2];
	_ =	sdelay $0x3  }
0x33: {  	p0 =	seq.s32 s10, $0x1;
	s10 =	sld [smem:$0x3FB4];
	_ =	sdelay $0x3  }
0x34: {  	[smem:$0x3FB4] =	sst s10  }
0x35: {  	s10 =	sld [smem:$0x3FB3];
	_ =	sdelay $0x3  }
0x36: {  	p1 =	seq.s32 s10, $0x1;
	s10 =	sld [smem:$0x3FB4];
	_ =	sdelay $0x3  }
0x37: {  	[smem:$0x3FB4] =	sst s10  }
0x38: {  	s10 =	sld [smem:$0x3FB5]  }
0x39: {  	_ = 	snop;
	(pc) =	sbr.ind lr, $3  }
0x3a: {  	_ = 	snop  }
0x3b: {  	_ = 	snop  }
0x3c: {  	p2 =	seq.s32 s10, $0x1;
	s10 =	sld [smem:$0x3FB4]  }
0x3d: {  	_ =	shalt  }
0x3e: {  	_ =	shalt  }
0x3f: {  	_ =	shalt  }
0x40: {  	_ =	shalt  }
0x41: {  	_ =	shalt  }
0x42: {  	_ =	shalt  }
0x43: {  	_ =	shalt  }
0x44: {  	_ =	shalt  }
0x45: {  	_ =	shalt  }
0x46: {  	_ =	shalt  }
0x47: {  	_ =	shalt  }
0x48: {  	_ =	shalt  }
0x49: {  	_ =	shalt  }
0x4a: {  	_ =	shalt  }
0x4b: {  	_ =	shalt  }
0x4c: {  	_ =	shalt  }
0x4d: {  	_ =	shalt  }
0x4e: {  	_ =	shalt  }
0x4f: {  	_ =	shalt  }
0x50: {  	_ =	shalt  }
0x51: {  	_ =	shalt  }
0x52: {  	_ =	shalt  }
0x53: {  	_ =	shalt  }
0x54: {  	_ =	shalt  }
0x55: {  	_ =	shalt  }
0x56: {  	_ =	shalt  }
0x57: {  	_ =	shalt  }
0x58: {  	_ =	shalt  }
0x59: {  	_ =	shalt  }
0x5a: {  	_ =	shalt  }
0x5b: {  	_ =	shalt  }
0x5c: {  	_ =	shalt  }
0x5d: {  	_ =	shalt  }
0x5e: {  	_ =	shalt  }
0x5f: {  	_ =	shalt  }
0x60: {  	_ =	shalt  }
0x61: {  	_ =	shalt  }
0x62: {  	_ =	shalt  }
0x63: {  	_ =	shalt  }
0x64: {  	_ =	shalt  }
0x65: {  	_ =	shalt  }
0x66: {  	_ =	shalt  }
0x67: {  	_ =	shalt  }
0x68: {  	_ =	shalt  }
0x69: {  	_ =	shalt  }
0x6a: {  	_ =	shalt  }
0x6b: {  	_ =	shalt  }
0x6c: {  	_ =	shalt  }
0x6d: {  	_ =	shalt  }
0x6e: {  	_ =	shalt  }
0x6f: {  	_ =	shalt  }
0x70: {  	_ =	shalt  }
0x71: {  	_ =	shalt  }
0x72: {  	_ =	shalt  }
0x73: {  	_ =	shalt  }
0x74: {  	_ =	shalt  }
0x75: {  	_ =	shalt  }
0x76: {  	_ =	shalt  }
0x77: {  	_ =	shalt  }
0x78: {  	_ =	shalt  }
0x79: {  	_ =	shalt  }
0x7a: {  	_ =	shalt  }
0x7b: {  	_ =	shalt  }
0x7c: {  	_ =	shalt  }
0x7d: {  	_ =	shalt  }
0x7e: {  	_ =	shalt  }
0x7f: {  	_ =	shalt  }
0x80: {  	_ =	shalt  }
0x81: {  	_ =	shalt  }
0x82: {  	_ =	shalt  }
0x83: {  	_ =	shalt  }
0x84: {  	_ =	shalt  }
0x85: {  	_ =	shalt  }
0x86: {  	_ =	shalt  }
0x87: {  	_ =	shalt  }
.Lfunc_end0:
.L_simem_size_0:
called_computation_lowered:
.L_overlay_start_0:
0x88: {  	s2 =	sld [smem:$0x3FD9]  }
0x89: {  	s3 =	sld [smem:$0x3FFE];
	_ =	sdelay $0x1  }
0x8a: {  	s1 =	srdreg.scid  }
0x8b: {  	s0 =	sand.u32 $0x1, s1  }
0x8c: {  	s15 =	sshll.u32 s0, $0xA;
	s2 =	sadd.s32 s3, s2  }
0x8d: {  	s2 =	sadd.s32 s2, s15  }
0x8e: {  	[smem:$0x3FC0] =	sst s2  }
0x8f: {  	_ = 	snop  }
0x90: {  	s2 =	sld [smem:$0x3FD0]  }
0x91: {  	s16 =	sld [smem:$0x3FC8]  }
0x92: {  	s4 =	sld [smem:$0x3FC6]  }
0x93: {  	s6 =	simm.s32 $0xA;
	s7 =	simm.s32 $0x10;
	s5 =	sld [smem:$0x3FC4]  }
0x94: {  	[smem:s7], [sflag:s6] =	dma.local [hbm:s2], $0x1  }
0x95: {  	_ =	swait.eq [sflag:s6], $0x1  }
0x96: {  	[sflag:s6] =	ssyncset.done $0x0  }
0x97: {  	s17 =	sld [smem:$0x11];
	[sflag:s6] =	ssyncadd.s32 $0xFFFFFFFF  }
0x98: {  	s18 =	sld [smem:$0x12];
	(tm) =	ssettm $0x1  }
0x99: {  	s19 =	sld [smem:$0x3FFB];
	_ =	sdelay $0x3  }
0x9a: {  	_ =	strace s19  }
0x9b: {  	s7 =	sld [smem:$0x3FFC];
	_ =	sdelay $0x3  }
0x9c: {  	_ =	strace s7  }
0x9d: {  	s7 =	sld [smem:$0x3FFD];
	_ =	sdelay $0x3  }
0x9e: {  	_ =	strace s7  }
0x9f: {  	_ =	strace $0x8FFFFFFF  }
0xa0: {  	s20 =	sld [smem:$0x3FDB];
	_ =	sdelay $0x1  }
0xa1: {  	s8 =	simm.s32 $_scs_section_size  }
0xa2: {  	s9 =	simm.s32 $_size__tile_overlayer_lowered;
	s10 =	simm.s32 $_tile_overlayer_lowered  }
0xa3: {  	s23 =	simm.s32 $0x1BFF;
	s22 =	sshll.u32 s10, $0x1;
	s7 =	sadd.s32 s8, s20  }
0xa4: {  	s11 =	simm.s32 $0x0;
	s21 =	sshll.u32 s9, $0x1;
	s9 =	sadd.s32 s22, s7  }
0xa5: {  	[timem:s11], [sflag:s23] =	dma.local [hbm:s9], s21  }
0xa6: {  	_ =	swait.ge [sflag:s23], s21  }
0xa7: {  	s8 =	ssub.s32 $0x0, s21;
	[sflag:s23] =	ssyncset.done $0x0  }
0xa8: {  	[sflag:s23] =	ssyncadd.s32 s8;
	_ =	sdelay $0x1  }
0xa9: {  	s24 =	simm.s32 $0x1B8B  }
0xaa: {  	_ =	swait.ge [sflag:s24], $0x1  }
0xab: {  	[sflag:s24] =	ssyncset.done $0x0  }
0xac: {  	s25 =	simm.s32 $0x1B8E;
	[sflag:s24] =	ssyncadd.s32 $0xFFFFFFFF  }
0xad: {  	s26 =	simm.s32 $execute0_lowered;
	[smem:$0x3FD2] =	sst s25  }
0xae: {  	s8 =	sshll.u32 s26, $0x1;
	_ =	strace $0x80000046;
	[dreg:$0x1] =	wrdreg $0xFFFFFFFF  }
0xaf: {  	s28 =	simm.s32 $_size_execute0_lowered;
	s7 =	sadd.s32 s7, s8;
	[dreg:$0x0] =	wrdreg $0x0  }
0xb0: {  	s8 =	sshll.u32 s28, $0x1;
	[dreg:$0x2] =	wrdreg s7  }
0xb1: {  	[dreg:$0x3] =	wrdreg s8  }
0xb2: {  	[dreg:$0x4] =	wrdreg $0xC0  }
0xb3: {  	_ =	task [dreg:s11], $0x5FFFF  }
0xb4: {  	[dreg:$0x1] =	wrdreg $0xFFFFFFFF  }
0xb5: {  	[dreg:$0x0] =	wrdreg $0x60  }
0xb6: {  	[dreg:$0x2] =	wrdreg s16  }
0xb7: {  	[dreg:$0x3] =	wrdreg s4  }
0xb8: {  	[dreg:$0x4] =	wrdreg s5  }
0xb9: {  	[dreg:$0x5] =	wrdreg s18  }
0xba: {  	[dreg:$0x6] =	wrdreg s17  }
0xbb: {  	[dreg:$0x7] =	wrdreg $0x9  }
0xbc: {  	_ =	task.clear_ibuf [dreg:s11], $0x8FFFF;
	_ =	strace $0x90000046  }
0xbd: {  	s29 =	simm.s32 $0x9;
	_ =	strace $0x80000048  }
0xbe: {  	_ =	swait.ge [sflag:s29], $0x1  }
0xbf: {  	[sflag:s29] =	ssyncadd.s32 $0xFFFFFFFF  }
0xc0: {  	_ =	strace $0x90000048  }
0xc1: {  	_ =	sfence  }
0xc2: {  	s30 =	sld [smem:$0x0];
	_ =	sdelay $0x2  }
0xc3: {  	s31 =	sshll.u32 s1, $0xD;
	s1 =	sshrl.u32 s1, $0x2  }
0xc4: {  	s3 =	sand.u32 $0x4000, s31;
	s1 =	sadd.s32 s1, s30  }
0xc5: {  	s0 =	sor.u32 s3, s0;
	s1 =	sshll.u32 s1, $0x11  }
0xc6: {  	s0 =	sor.u32 s1, s0  }
0xc7: {  	s0 =	sadd.s32 $0x8F2B, s0  }
0xc8: {  	[sflag:s0] =	ssyncadd.remote.s32 $0x1  }
0xc9: {  	_ =	sfence.sel $0xFFFF  }
0xca: {  	[dreg:$0x0] =	wrdreg $0xFFFFFFFF;
	(pc) =	sbr.abs _section_cstart, $3  }
0xcb: {  	[dreg:$0x1] =	wrdreg $0xFFFFFFFF  }
0xcc: {  	_ =	task.clear_ibuf [dreg:s11], $0x2FFFF;
	_ =	strace $0x9FFFFFFF  }
0xcd: {  	(tm) =	ssettm $0x7FFFFFFF  }
tec
execute0_lowered:
.L_overlay_start_1:
0x0: {  	(tag) =	ssettag $0x1  }
0x1: {  	s15 =	rddreg [dreg:$0x0]  }
0x2: {  	s17 =	rddreg [dreg:$0x1];
	s1 =	srdreg.scid  }
0x3: {  	s0 =	stileid.u32;
	s18 =	rddreg [dreg:$0x2]  }
0x4: {  	s6 =	rddreg [dreg:$0x3];
	s5 =	simm.s32 $0x0;
	s31 =	simm.s32 $0x1  }
0x5: {  	s2 =	sand.u32 $0x1, s1;
	s25 =	sshll.u32 s0, $0x1;
	s1 =	rddreg [dreg:$0x4]  }
0x6: {  	[smem:$0x7FF] =	sst s5;
	p4 =	sgt.u32 s0, $0x5;
	s3 =	sor.u32 s2, s25  }
0x7: {  	s2 =	ssub.s32 $0x2, s2;
	_ =	strace $0x80000047;
	s28 =	sadd.s32 $0x1420, s1  }
0x8: {  	s29 =	sadd.s32 $0x1430, s1;
	s7 =	smul.u32 $0x56, s3;
	s4 =	sadd.s32 $0xFFFFFFF4, s3  }
0x9: {  	s10 =	sshrl.u32 s2, $0x1;
	p0 =	slt.u32 s3, $0xD;
	p3 =	sne.s32 s3, $0x18  }
0xa: {  	s12 =	smul.u32 $0xAB, s4;
	s2 =	ssub.s32 s2, s10;
	s10 =	simm.s32 $0x1  }
0xb: {  	p2 =	sgt.u32 s4, $0xB;
	s9 =	sshrl.u32 s7, $0xA;
	s11 =	sshrl.u32 s7, $0x1  }
0xc: {  	s7 =	sshrl.u32 s7, $0x8;
	s30 =	smax.u32 s2, $0x1;
	s2 =	simm.s32 $0x200  }
0xd: {  	s8 =	smul.u32 $0xA200, s9;
	s26 =	sand.u32 $0x180, s11;
	s14 =	sshrl.u32 s12, $0x9  }
0xe: {  	s7 =	smul.u32 $0x3, s7;
	s20 =	sshll.u32 s9, $0xD;
	s9 =	sshll.u32 s9, $0xE  }
0xf: {  	s13 =	sand.u32 $0x7F, s14;
	s21 =	sor.u32 s26, s20;
	s11 =	sor.u32 s26, s8  }
0x10: {  	s9 =	sor.u32 s26, s9;
	s14 =	smul.u32 $0x3, s13;
	s16 =	sadd.s32 $0x8000, s11  }
0x11: {  	s7 =	ssub.s32 s3, s7;
	s9 =	sshrl.u32 s9, $0x3;
	s19 =	sshrl.u32 s16, $0x3  }
0x12: {  	s26 =	sadd.s32 $0x1400, s6;
	s22 =	sadd.s32 $0x4000, s11;
	s8 =	sadd.s32 s6, s19  }
0x13: {  	s23 =	sadd.s32 s17, s9;
	[dreg:$0x6] =	wrdreg s8;
	s8 =	sshrl.u32 s21, $0x3  }
0x14: {  	s11 =	sshrl.u32 s11, $0x3;
	s16 =	ssub.s32 s4, s14;
	s8 =	sadd.s32 s18, s8  }
0x15: {  	s9 =	sadd.s32 s15, s9;
	[dreg:$0x7] =	wrdreg s8;
	s8 =	sand.u32 $0xFF, s16  }
0x16: {  	[dreg:$0xc] =	wrdreg s26;
	s15 =	sadd.s32 $0x1420, s6;
	p1 =	sne.s32 s8, $0x0  }
0x17: {  	s7 =	sand.u32 $0xFF, s7;
	s12 =	sshrl.u32 s22, $0x3;
	p0 =	por !p0, !p1  }
0x18: {  	[dreg:$0x9] =	wrdreg s23;
	s11 =	sadd.s32 s6, s11;
	p0 =	por !p0, !p0  }
0x19: {  	[dreg:$0xb] =	wrdreg s9;
	s14 =	sadd.s32 $0x1410, s6;
	s10 =	simm.s32 @!p0 $0x0  }
0x1a: {  	s12 =	sadd.s32 s6, s12;
	[dreg:$0xa] =	wrdreg s11;
	s24 =	ssub.s32 s13, s10  }
0x1b: {  	p0 =	seq.s32 s8, $0x1;
	s10 =	simm.s32 $0x4000;
	s25 =	sshrl.u32 s24, $0x2  }
0x1c: {  	p1 =	seq.s32 s8, $0x0;
	s10 =	simm.s32 @!p0 $0x8000;
	s11 =	smul.u32 $0xA200, s25  }
0x1d: {  	[dreg:$0x8] =	wrdreg s12;
	s9 =	sshll.u32 s24, $0x7;
	s10 =	simm.s32 @p1 $0x0  }
0x1e: {  	s12 =	sadd.s32 $0x1, s16;
	s9 =	sand.u32 $0x180, s9;
	s10 =	sadd.s32 s10, s11  }
0x1f: {  	v0 =	vimm.s32 $0xEFCDAB89;
	v3 =	vimm.s32 $0xDCFE98BA;
	s16 =	sadd.s32 $0x1430, s6;
	s13 =	sand.u32 $0xFF, s12;
	s9 =	sor.u32 s9, s10  }
0x20: {  	v4 =	vimm.s32 $0x54761032;
	v5 =	vimm.s32 $0xBA98FEDC;
	p0 =	seq.s32 s7, $0x2;
	p1 =	seq.s32 s7, $0x1;
	s10 =	sadd.s32 $0x800, s9  }
0x21: {  	v6 =	vimm.s32 $0xFEDCBA98;
	v7 =	vimm.s32 $0x32107654;
	s19 =	sshrl.u32 s9, $0x3;
	s20 =	sadd.s32 $0x1000, s9;
	s21 =	sadd.s32 $0x1800, s9  }
0x22: {  	v8 =	vimm.s32 $0x76543210;
	v1 =	vunpack.c.l.s4.s8 v0;
	s22 =	sadd.s32 $0x2000, s9;
	s24 =	sadd.s32 $0x2800, s9;
	s25 =	sadd.s32 $0x3000, s9  }
0x23: {  	v0 =	vimm.s32 $0x67452301;
	v3 =	vunpack.c.l.s4.s8 v3;
	v4 =	vunpack.c.l.s4.s8 v4;
	s26 =	sadd.s32 $0x3800, s9;
	s10 =	sshrl.u32 s10, $0x3;
	s17 =	sadd.s32 s1, s19  }
0x24: {  	v6 =	vunpack.c.l.s4.s8 v6;
	v5 =	vunpack.c.l.s4.s8 v5;
	v2 =	vunpack.c.l.s4.s8 v0;
	s7 =	sshrl.u32 s20, $0x3;
	s4 =	sshrl.u32 s21, $0x3;
	s23 =	sshrl.u32 s22, $0x3  }
0x25: {  	v7 =	vunpack.c.l.s4.s8 v7;
	v8 =	vunpack.c.l.s4.s8 v8;
	v1 =	vunpack.c.0.s8.s32 v1;
	s3 =	sshrl.u32 s24, $0x3;
	s6 =	sshrl.u32 s26, $0x3;
	s26 =	sadd.s32 $0x1410, s1  }
.Ltmp0:
0x26: {  	v3 =	vunpack.c.0.s8.s32 v3;
	v4 =	vunpack.c.0.s8.s32 v4;
	v2 =	vunpack.c.0.s8.s32 v2;
	s18 =	sadd.s32 s1, s10;
	s19 =	sadd.s32 s1, s7;
	(pc) =	sbr.rel .LBB2_1-.Ltmp0, $4  }
0x27: {  	v6 =	vunpack.c.0.s8.s32 v6;
	v5 =	vunpack.c.0.s8.s32 v5;
	v7 =	vunpack.c.0.s8.s32 v7;
	s20 =	sadd.s32 s1, s4;
	s21 =	sadd.s32 s1, s23;
	s4 =	sshrl.u32 s25, $0x3  }
0x28: {  	v8 =	vunpack.c.0.s8.s32 v8;
	v1 =	vcombine.low v2, v1;
	s22 =	sadd.s32 s1, s3;
	s24 =	sadd.s32 s1, s6;
	s25 =	sadd.s32 $0x1400, s1  }
0x29: {  	v2 =	vcombine.low v4, v3;
	v4 =	vand.u32 $0xF, v6;
	v3 =	vcombine.low v7, v5;
	s3 =	simm.s32 $0xA200;
	s6 =	simm.s32 $0xA280;
	s7 =	simm.s32 $0x0  }
0x2a: {  	v5 =	vimm.s32 $0x5;
	v4 =	vcombine.low v4, v8;
	v0 =	vmov s13;
	s23 =	sadd.s32 s1, s4;
	s4 =	simm.s32 $0x40;
	s1 =	simm.s32 $0x80  }
.LBB2_6:
0x2b: {  	[tilespmem:$0x0] =	vst v0  }
0x2c: {  	[tilespmem:$0x10] =	vst v0  }
0x2d: {  	[tilespmem:$0x20] =	vst v0  }
0x2e: {  	[tilespmem:$0x30] =	vst v0  }
0x2f: {  	[tilespmem:$0x40] =	vst v0  }
0x30: {  	[tilespmem:$0x50] =	vst v0  }
0x31: {  	[tilespmem:$0x60] =	vst v0  }
0x32: {  	[tilespmem:$0x70] =	vst v0  }
0x33: {  	[tilespmem:$0x80] =	vst v0  }
0x34: {  	[tilespmem:$0x90] =	vst v0  }
0x35: {  	[tilespmem:$0xA0] =	vst v0  }
0x36: {  	[tilespmem:$0xB0] =	vst v0  }
0x37: {  	[tilespmem:$0xC0] =	vst v0  }
0x38: {  	[tilespmem:$0xD0] =	vst v0  }
0x39: {  	[tilespmem:$0xE0] =	vst v0  }
0x3a: {  	[tilespmem:$0xF0] =	vst v0  }
0x3b: {  	[tilespmem:$0x100] =	vst v0  }
0x3c: {  	[tilespmem:$0x110] =	vst v0  }
0x3d: {  	[tilespmem:$0x120] =	vst v0  }
0x3e: {  	[tilespmem:$0x130] =	vst v0  }
0x3f: {  	[tilespmem:$0x140] =	vst v0  }
0x40: {  	[tilespmem:$0x150] =	vst v0  }
0x41: {  	[tilespmem:$0x160] =	vst v0  }
0x42: {  	[tilespmem:$0x170] =	vst v0  }
0x43: {  	[tilespmem:$0x180] =	vst v0  }
0x44: {  	[tilespmem:$0x190] =	vst v0  }
0x45: {  	[tilespmem:$0x1A0] =	vst v0  }
0x46: {  	[tilespmem:$0x1B0] =	vst v0  }
0x47: {  	[tilespmem:$0x1C0] =	vst v0  }
0x48: {  	[tilespmem:$0x1D0] =	vst v0  }
0x49: {  	[tilespmem:$0x1E0] =	vst v0  }
0x4a: {  	[tilespmem:$0x1F0] =	vst v0  }
0x4b: {  	[hbm4b:s17+s1] =	stream.strided.scatter [tilespmem:s5], [sflag:$0x1], $0x200, s2, s1, $0x38;
	[tilespmem:$0xA300] =	vst v63  }
0x4c: {  	_ =	swait.ge [sflag:s31], $0x200  }
0x4d: {  	[sflag:s31] =	ssyncset.done $0x0  }
0x4e: {  	[sflag:s31] =	ssyncadd.s32 $0xFFFFFE00  }
0x4f: {  	[hbm4b:s18+s1] =	stream.strided.scatter [tilespmem:s5], [sflag:$0x1], $0x200, s2, s1, $0x38;
	[tilespmem:$0xA300] =	vst v63  }
0x50: {  	_ =	swait.ge [sflag:s31], $0x200  }
0x51: {  	[sflag:s31] =	ssyncset.done $0x0  }
0x52: {  	[sflag:s31] =	ssyncadd.s32 $0xFFFFFE00  }
0x53: {  	[hbm4b:s19+s1] =	stream.strided.scatter [tilespmem:s5], [sflag:$0x1], $0x200, s2, s1, $0x38;
	[tilespmem:$0xA300] =	vst v63  }
0x54: {  	_ =	swait.ge [sflag:s31], $0x200  }
0x55: {  	[sflag:s31] =	ssyncset.done $0x0  }
0x56: {  	[sflag:s31] =	ssyncadd.s32 $0xFFFFFE00  }
0x57: {  	[hbm4b:s20+s1] =	stream.strided.scatter [tilespmem:s5], [sflag:$0x1], $0x200, s2, s1, $0x38;
	[tilespmem:$0xA300] =	vst v63  }
0x58: {  	p5 =	seq.s32 s8, $0x2;
	_ =	swait.ge [sflag:s31], $0x200  }
0x59: {  	s9 =	simm.s32 @!p5 $0x80;
	s10 =	simm.s32 @!p5 $0x200;
	[sflag:s31] =	ssyncset.done $0x0  }
0x5a: {  	s11 =	simm.s32 @!p5 $0x0;
	s12 =	simm.s32 @!p5 $0x1;
	[sflag:s31] =	ssyncadd.s32 $0xFFFFFE00  }
0x5b: {  	[hbm4b:s21+s9] =	stream.strided.scatter @!p5 [tilespmem:s11], [sflag:$0x1], $0x200, s10, s9, $0x38;
	[tilespmem:$0xA300] =	vst v63  }
0x5c: {  	_ =	swait.ge @!p5 [sflag:s12], $0x200  }
0x5d: {  	[sflag:s12] =	ssyncset.done @!p5 $0x0  }
0x5e: {  	[sflag:s12] =	ssyncadd.s32 @!p5 $0xFFFFFE00  }
0x5f: {  	[hbm4b:s22+s9] =	stream.strided.scatter @!p5 [tilespmem:s11], [sflag:$0x1], $0x200, s10, s9, $0x38;
	[tilespmem:$0xA300] =	vst v63  }
0x60: {  	_ =	swait.ge @!p5 [sflag:s12], $0x200  }
0x61: {  	[sflag:s12] =	ssyncset.done @!p5 $0x0  }
0x62: {  	[sflag:s12] =	ssyncadd.s32 @!p5 $0xFFFFFE00  }
0x63: {  	[hbm4b:s23+s9] =	stream.strided.scatter @!p5 [tilespmem:s11], [sflag:$0x1], $0x200, s10, s9, $0x38;
	[tilespmem:$0xA300] =	vst v63  }
0x64: {  	_ =	swait.ge @!p5 [sflag:s12], $0x200  }
0x65: {  	[sflag:s12] =	ssyncset.done @!p5 $0x0  }
0x66: {  	[sflag:s12] =	ssyncadd.s32 @!p5 $0xFFFFFE00  }
0x67: {  	[hbm4b:s24+s9] =	stream.strided.scatter @!p5 [tilespmem:s11], [sflag:$0x1], $0x200, s10, s9, $0x38;
	[tilespmem:$0xA300] =	vst v63  }
0x68: {  	_ =	swait.ge @!p5 [sflag:s12], $0x200  }
0x69: {  	[sflag:s12] =	ssyncset.done @!p5 $0x0  }
0x6a: {  	[sflag:s12] =	ssyncadd.s32 @!p5 $0xFFFFFE00  }
.LBB2_33:
0x6b: {  	s7 =	sadd.s32 $0x1, s7  }
0x6c: {  	p5 =	sne.s32 s7, s30  }
.Ltmp1:
0x6d: {  	_ = 	snop;
	(pc) =	sbr.rel @!p5 .LBB2_34-.Ltmp1, $1  }
0x6e: {  	_ =	sdelay $0x3  }
.LBB2_1:
.Ltmp2:
0x6f: {  	(pc) =	sbr.rel @p4 .LBB2_5-.Ltmp2, $1  }
0x70: {  	_ =	sdelay $0x3  }
.Ltmp3:
0x71: {  	(pc) =	sbr.rel @p0 .LBB2_4-.Ltmp3, $3  }
0x72: {  	_ =	sdelay $0x1  }
0x73: {  	s9 =	sshll.u32 s0, $0x6  }
0x74: {  	s9 =	sor.u32 $0x1C01, s9  }
0x75: {  	s10 =	rddreg @p1 [dreg:$0x8]  }
0x76: {  	s11 =	rddreg @p1 [dreg:$0x9]  }
0x77: {  	s10 =	rddreg @!p1 [dreg:$0xa]  }
.Ltmp4:
0x78: {  	s11 =	rddreg @!p1 [dreg:$0xb];
	(pc) =	sbr.rel .LBB2_5-.Ltmp4, $4  }
0x79: {  	[hbm:s10@s4], [sflag:s9] =	dma.strided [hbm:s11@s4], $0x200, s31, $0x10   }
0x7a: {  	_ =	swait.ge [sflag:s31], $0x200  }
0x7b: {  	[sflag:s31] =	ssyncset.done $0x0  }
0x7c: {  	[sflag:s31] =	ssyncadd.s32 $0xFFFFFE00  }
.LBB2_4:
0x7d: {  	s10 =	rddreg [dreg:$0x6]  }
0x7e: {  	s11 =	rddreg [dreg:$0x7]  }
0x7f: {  	[hbm:s10@s4], [sflag:s9] =	dma.strided [hbm:s11@s4], $0x100, s31, $0x10   }
0x80: {  	_ =	swait.ge [sflag:s31], $0x100  }
0x81: {  	[sflag:s31] =	ssyncset.done $0x0  }
0x82: {  	[sflag:s31] =	ssyncadd.s32 $0xFFFFFF00  }
.LBB2_5:
.Ltmp5:
0x83: {  	(pc) =	sbr.rel @!p2 .LBB2_6-.Ltmp5, $1  }
0x84: {  	_ =	sdelay $0x3  }
.Ltmp6:
0x85: {  	(pc) =	sbr.rel @p3 .LBB2_33-.Ltmp6, $1  }
0x86: {  	_ =	sdelay $0x3  }
0x87: {  	s9 =	simm.s32 $0x0;
	s0 =	rddreg [dreg:$0x0]  }
0x88: {  	[tilespmem:s2], [sflag:$0x1] =	stream.linear.gather [hbm4b:s0+s9], $0x4000, $0x38;
	[tilespmem:$0xA300] =	vst v63  }
0x89: {  	_ =	swait.ge [sflag:s31], $0x4000  }
0x8a: {  	[sflag:s31] =	ssyncset.done $0x0  }
0x8b: {  	[sflag:s31] =	ssyncadd.s32 $0xFFFFC000  }
0x8c: {  	s10 =	simm.s32 $0x4200;
	s13 =	rddreg [dreg:$0x1]  }
0x8d: {  	[tilespmem:s10], [sflag:$0x1] =	stream.linear.gather [hbm4b:s13+s9], $0x4000, $0x38;
	[tilespmem:$0xA300] =	vst v63  }
0x8e: {  	_ =	swait.ge [sflag:s31], $0x4000  }
0x8f: {  	[sflag:s31] =	ssyncset.done $0x0  }
0x90: {  	[sflag:s31] =	ssyncadd.s32 $0xFFFFC000  }
0x91: {  	s12 =	simm.s32 $0x8200;
	s11 =	rddreg [dreg:$0x2]  }
0x92: {  	[tilespmem:s12], [sflag:$0x1] =	stream.linear.gather [hbm4b:s11+s9], $0x2000, $0x38;
	[tilespmem:$0xA300] =	vst v63  }
0x93: {  	_ =	swait.ge [sflag:s31], $0x2000  }
0x94: {  	s13 =	sand.u32 $0x70, s9;
	s11 =	sand.u32 $0x3E00, s9;
	[sflag:s31] =	ssyncset.done $0x0  }
0x95: {  	s10 =	sor.u32 s13, s11;
	[sflag:s31] =	ssyncadd.s32 $0xFFFFE000  }
0x96: {  	v6 =	vimm.f32 $-Inf;
	s12 =	simm.s32 $0x0;
	s11 =	simm.s32 $0x10;
	v7 =	vld [tilespmem:s10+$0x200]  }
.LBB2_9:
0x97: {  	p5 =	sne.s32 s11, $0xFF0  }
.Ltmp7:
0x98: {  	_ = 	snop;
	(pc) =	sbr.rel @p5 .LBB2_9-.Ltmp7, $4  }
0x99: {  	s12 =	sadd.s32 $0x40, s12  }
0x9a: {  	s0 =	sand.u32 $0x70, s11;
	s13 =	sand.u32 $0x3E00, s12  }
0x9b: {  	s0 =	sor.u32 s0, s13  }
0x9c: {  	s11 =	sadd.s32 $0x10, s11;
	v6 =	vmax.f32 v6, v7;
	v7 =	vld [tilespmem:s0+$0x200]  }
0x9d: {  	_ =	sdelay $0x3  }
0x9e: {  	s11 =	simm.s32 $0x10;
	v6 =	vmax.f32 v6, v7;
	v7 =	vld [tilespmem:s10+$0x4200]  }
.LBB2_11:
0x9f: {  	p5 =	sne.s32 s11, $0xFF0  }
.Ltmp8:
0xa0: {  	_ = 	snop;
	(pc) =	sbr.rel @p5 .LBB2_11-.Ltmp8, $4  }
0xa1: {  	s9 =	sadd.s32 $0x40, s9  }
0xa2: {  	s0 =	sand.u32 $0x70, s11;
	s10 =	sand.u32 $0x3E00, s9  }
0xa3: {  	s0 =	sor.u32 s0, s10  }
0xa4: {  	s11 =	sadd.s32 $0x10, s11;
	v6 =	vmax.f32 v6, v7;
	v7 =	vld [tilespmem:s0+$0x4200]  }
0xa5: {  	_ = 	snop  }
0xa6: {  	s9 =	simm.s32 $0x0  }
0xa7: {  	s10 =	sand.u32 $0x70, s9;
	s0 =	sand.u32 $0x1E00, s9  }
0xa8: {  	s0 =	sor.u32 s10, s0  }
0xa9: {  	s11 =	simm.s32 $0x10;
	s12 =	simm.s32 $0x0;
	v6 =	vmax.f32 v6, v7;
	v7 =	vld [tilespmem:s0+$0x8200]  }
.LBB2_13:
0xaa: {  	p5 =	sne.s32 s11, $0x7F0  }
.Ltmp9:
0xab: {  	_ = 	snop;
	(pc) =	sbr.rel @p5 .LBB2_13-.Ltmp9, $4  }
0xac: {  	s12 =	sadd.s32 $0x40, s12  }
0xad: {  	s0 =	sand.u32 $0x70, s11;
	s13 =	sand.u32 $0x1E00, s12  }
0xae: {  	s0 =	sor.u32 s0, s13  }
0xaf: {  	s11 =	sadd.s32 $0x10, s11;
	v6 =	vmax.f32 v6, v7;
	v7 =	vld [tilespmem:s0+$0x8200]  }
0xb0: {  	_ =	sdelay $0x1  }
0xb1: {  	s0 =	sand.u32 $0x3E00, s9  }
0xb2: {  	s0 =	sor.u32 s10, s0  }
0xb3: {  	s10 =	simm.s32 $0x10;
	v6 =	vmax.f32 v6, v7;
	v7 =	vld [tilespmem:s0+$0x280]  }
.LBB2_15:
0xb4: {  	p5 =	sne.s32 s10, $0xFF0  }
.Ltmp10:
0xb5: {  	_ = 	snop;
	(pc) =	sbr.rel @p5 .LBB2_15-.Ltmp10, $4  }
0xb6: {  	s9 =	sadd.s32 $0x40, s9  }
0xb7: {  	s0 =	sand.u32 $0x70, s10;
	s11 =	sand.u32 $0x3E00, s9  }
0xb8: {  	s0 =	sor.u32 s0, s11  }
0xb9: {  	s10 =	sadd.s32 $0x10, s10;
	v6 =	vmax.f32 v6, v7;
	v7 =	vld [tilespmem:s0+$0x280]  }
0xba: {  	_ = 	snop  }
0xbb: {  	s9 =	simm.s32 $0x0  }
0xbc: {  	s10 =	sand.u32 $0x70, s9;
	s0 =	sand.u32 $0x3E00, s9  }
0xbd: {  	s0 =	sor.u32 s10, s0  }
0xbe: {  	s11 =	simm.s32 $0x10;
	s12 =	simm.s32 $0x0;
	v6 =	vmax.f32 v6, v7;
	v7 =	vld [tilespmem:s0+$0x4280]  }
.LBB2_17:
0xbf: {  	p5 =	sne.s32 s11, $0xFF0  }
.Ltmp11:
0xc0: {  	_ = 	snop;
	(pc) =	sbr.rel @p5 .LBB2_17-.Ltmp11, $4  }
0xc1: {  	s12 =	sadd.s32 $0x40, s12  }
0xc2: {  	s0 =	sand.u32 $0x70, s11;
	s13 =	sand.u32 $0x3E00, s12  }
0xc3: {  	s0 =	sor.u32 s0, s13  }
0xc4: {  	s11 =	sadd.s32 $0x10, s11;
	v6 =	vmax.f32 v6, v7;
	v7 =	vld [tilespmem:s0+$0x4280]  }
0xc5: {  	_ =	sdelay $0x1  }
0xc6: {  	s0 =	sand.u32 $0x1E00, s9  }
0xc7: {  	s0 =	sor.u32 s10, s0  }
0xc8: {  	s10 =	simm.s32 $0x10;
	v6 =	vmax.f32 v6, v7;
	v7 =	vld [tilespmem:s0+$0x8280]  }
.LBB2_19:
0xc9: {  	p5 =	sne.s32 s10, $0x7F0  }
.Ltmp12:
0xca: {  	_ = 	snop;
	(pc) =	sbr.rel @p5 .LBB2_19-.Ltmp12, $4  }
0xcb: {  	s9 =	sadd.s32 $0x40, s9  }
0xcc: {  	s0 =	sand.u32 $0x70, s10;
	s11 =	sand.u32 $0x1E00, s9  }
0xcd: {  	s0 =	sor.u32 s0, s11  }
0xce: {  	s10 =	sadd.s32 $0x10, s10;
	v6 =	vmax.f32 v6, v7;
	v7 =	vld [tilespmem:s0+$0x8280]  }
0xcf: {  	_ = 	snop  }
0xd0: {  	s9 =	simm.s32 $0x0  }
0xd1: {  	s0 =	sand.u32 $0x70, s9;
	s10 =	sand.u32 $0x3E00, s9  }
0xd2: {  	s10 =	sor.u32 s0, s10  }
0xd3: {  	s11 =	simm.s32 $0x10;
	s12 =	simm.s32 $0x0;
	v6 =	vmax.f32 v6, v7;
	v7 =	vld [tilespmem:s10+$0x300]  }
.LBB2_21:
0xd4: {  	p5 =	sne.s32 s11, $0xFF0  }
.Ltmp13:
0xd5: {  	_ = 	snop;
	(pc) =	sbr.rel @p5 .LBB2_21-.Ltmp13, $4  }
0xd6: {  	s12 =	sadd.s32 $0x40, s12  }
0xd7: {  	s0 =	sand.u32 $0x70, s11;
	s13 =	sand.u32 $0x3E00, s12  }
0xd8: {  	s0 =	sor.u32 s0, s13  }
0xd9: {  	s11 =	sadd.s32 $0x10, s11;
	v6 =	vmax.f32 v6, v7;
	v7 =	vld [tilespmem:s0+$0x300]  }
0xda: {  	_ =	sdelay $0x3  }
0xdb: {  	s11 =	simm.s32 $0x10;
	v6 =	vmax.f32 v6, v7;
	v7 =	vld [tilespmem:s10+$0x4300]  }
.LBB2_23:
0xdc: {  	p5 =	sne.s32 s11, $0xFF0  }
.Ltmp14:
0xdd: {  	_ = 	snop;
	(pc) =	sbr.rel @p5 .LBB2_23-.Ltmp14, $4  }
0xde: {  	s9 =	sadd.s32 $0x40, s9  }
0xdf: {  	s0 =	sand.u32 $0x70, s11;
	s10 =	sand.u32 $0x3E00, s9  }
0xe0: {  	s0 =	sor.u32 s0, s10  }
0xe1: {  	s11 =	sadd.s32 $0x10, s11;
	v6 =	vmax.f32 v6, v7;
	v7 =	vld [tilespmem:s0+$0x4300]  }
0xe2: {  	_ = 	snop  }
0xe3: {  	s9 =	simm.s32 $0x0  }
0xe4: {  	s10 =	sand.u32 $0x70, s9;
	s0 =	sand.u32 $0x1E00, s9  }
0xe5: {  	s0 =	sor.u32 s10, s0  }
0xe6: {  	s11 =	simm.s32 $0x10;
	s12 =	simm.s32 $0x0;
	v6 =	vmax.f32 v6, v7;
	v7 =	vld [tilespmem:s0+$0x8300]  }
.LBB2_25:
0xe7: {  	p5 =	sne.s32 s11, $0x7F0  }
.Ltmp15:
0xe8: {  	_ = 	snop;
	(pc) =	sbr.rel @p5 .LBB2_25-.Ltmp15, $4  }
0xe9: {  	s12 =	sadd.s32 $0x40, s12  }
0xea: {  	s0 =	sand.u32 $0x70, s11;
	s13 =	sand.u32 $0x1E00, s12  }
0xeb: {  	s0 =	sor.u32 s0, s13  }
0xec: {  	s11 =	sadd.s32 $0x10, s11;
	v6 =	vmax.f32 v6, v7;
	v7 =	vld [tilespmem:s0+$0x8300]  }
0xed: {  	_ =	sdelay $0x1  }
0xee: {  	s0 =	sand.u32 $0x3E00, s9  }
0xef: {  	s0 =	sor.u32 s10, s0  }
0xf0: {  	s10 =	simm.s32 $0x10;
	v6 =	vmax.f32 v6, v7;
	v7 =	vld [tilespmem:s0+$0x380]  }
.LBB2_27:
0xf1: {  	p5 =	sne.s32 s10, $0xFF0  }
.Ltmp16:
0xf2: {  	_ = 	snop;
	(pc) =	sbr.rel @p5 .LBB2_27-.Ltmp16, $4  }
0xf3: {  	s9 =	sadd.s32 $0x40, s9  }
0xf4: {  	s0 =	sand.u32 $0x70, s10;
	s11 =	sand.u32 $0x3E00, s9  }
0xf5: {  	s0 =	sor.u32 s0, s11  }
0xf6: {  	s10 =	sadd.s32 $0x10, s10;
	v6 =	vmax.f32 v6, v7;
	v7 =	vld [tilespmem:s0+$0x380]  }
0xf7: {  	_ = 	snop  }
0xf8: {  	s9 =	simm.s32 $0x0  }
0xf9: {  	s10 =	sand.u32 $0x70, s9;
	s0 =	sand.u32 $0x3E00, s9  }
0xfa: {  	s0 =	sor.u32 s10, s0  }
0xfb: {  	s11 =	simm.s32 $0x10;
	s12 =	simm.s32 $0x0;
	v6 =	vmax.f32 v6, v7;
	v7 =	vld [tilespmem:s0+$0x4380]  }
.LBB2_29:
0xfc: {  	p5 =	sne.s32 s11, $0xFF0  }
.Ltmp17:
0xfd: {  	_ = 	snop;
	(pc) =	sbr.rel @p5 .LBB2_29-.Ltmp17, $4  }
0xfe: {  	s12 =	sadd.s32 $0x40, s12  }
0xff: {  	s0 =	sand.u32 $0x70, s11;
	s13 =	sand.u32 $0x3E00, s12  }
0x100: {  	s0 =	sor.u32 s0, s13  }
0x101: {  	s11 =	sadd.s32 $0x10, s11;
	v6 =	vmax.f32 v6, v7;
	v7 =	vld [tilespmem:s0+$0x4380]  }
0x102: {  	_ =	sdelay $0x1  }
0x103: {  	s0 =	sand.u32 $0x1E00, s9  }
0x104: {  	s0 =	sor.u32 s10, s0  }
0x105: {  	s10 =	simm.s32 $0x10;
	v6 =	vmax.f32 v6, v7;
	v7 =	vld [tilespmem:s0+$0x8380]  }
.LBB2_31:
0x106: {  	p5 =	sne.s32 s10, $0x7F0  }
.Ltmp18:
0x107: {  	_ = 	snop;
	(pc) =	sbr.rel @p5 .LBB2_31-.Ltmp18, $4  }
0x108: {  	s9 =	sadd.s32 $0x40, s9  }
0x109: {  	s0 =	sand.u32 $0x70, s10;
	s11 =	sand.u32 $0x1E00, s9  }
0x10a: {  	s0 =	sor.u32 s0, s11  }
0x10b: {  	s10 =	sadd.s32 $0x10, s10;
	v6 =	vmax.f32 v6, v7;
	v7 =	vld [tilespmem:s0+$0x8380]  }
0x10c: {  	_ =	sdelay $0x3  }
0x10d: {  	v6 =	vmax.f32 v6, v7  }
0x10e: {  	v7 =	vperm.xlane v6, v1;
	_ =	sdelay $0x1  }
0x10f: {  	v6 =	vmax.f32 v6, v7  }
0x110: {  	v7 =	vperm.xlane v6, v2;
	_ =	sdelay $0x1  }
0x111: {  	v6 =	vmax.f32 v6, v7  }
0x112: {  	v7 =	vperm.xlane v6, v3;
	_ =	sdelay $0x1  }
0x113: {  	v6 =	vmax.f32 v6, v7  }
0x114: {  	v7 =	vperm.xlane v6, v4;
	_ =	sdelay $0x1  }
0x115: {  	v6 =	vmax.f32 v6, v7  }
0x116: {  	v6 =	vadd.f32 $1.000000000e+00, v6  }
0x117: {  	[tilespmem:$0xA280] =	vst v5  }
0x118: {  	s0 =	rddreg [dreg:$0xc];
	[tilespmem:$0xA200] =	vst v6  }
0x119: {  	[hbm4b:s0+s5] =	stream.linear.scatter [tilespmem:s3], [sflag:$0x1], $0x80, $0x38;
	[tilespmem:$0xA300] =	vst v63  }
0x11a: {  	_ =	swait.ge [sflag:s31], $0x80  }
0x11b: {  	[sflag:s31] =	ssyncset.done $0x0  }
0x11c: {  	[sflag:s31] =	ssyncadd.s32 $0xFFFFFF80  }
0x11d: {  	[hbm4b:s25+s5] =	stream.linear.scatter [tilespmem:s6], [sflag:$0x1], $0x80, $0x38;
	[tilespmem:$0xA300] =	vst v63  }
0x11e: {  	_ =	swait.ge [sflag:s31], $0x80  }
0x11f: {  	[sflag:s31] =	ssyncset.done $0x0  }
0x120: {  	[sflag:s31] =	ssyncadd.s32 $0xFFFFFF80  }
0x121: {  	[hbm4b:s14+s5] =	stream.linear.scatter [tilespmem:s3], [sflag:$0x1], $0x80, $0x38;
	[tilespmem:$0xA300] =	vst v63  }
0x122: {  	_ =	swait.ge [sflag:s31], $0x80  }
0x123: {  	[sflag:s31] =	ssyncset.done $0x0  }
0x124: {  	[sflag:s31] =	ssyncadd.s32 $0xFFFFFF80  }
0x125: {  	[hbm4b:s26+s5] =	stream.linear.scatter [tilespmem:s6], [sflag:$0x1], $0x80, $0x38;
	[tilespmem:$0xA300] =	vst v63  }
0x126: {  	_ =	swait.ge [sflag:s31], $0x80  }
0x127: {  	[sflag:s31] =	ssyncset.done $0x0  }
0x128: {  	[sflag:s31] =	ssyncadd.s32 $0xFFFFFF80  }
0x129: {  	[hbm4b:s15+s5] =	stream.linear.scatter [tilespmem:s3], [sflag:$0x1], $0x80, $0x38;
	[tilespmem:$0xA300] =	vst v63  }
0x12a: {  	_ =	swait.ge [sflag:s31], $0x80  }
0x12b: {  	[sflag:s31] =	ssyncset.done $0x0  }
0x12c: {  	[sflag:s31] =	ssyncadd.s32 $0xFFFFFF80  }
0x12d: {  	[hbm4b:s28+s5] =	stream.linear.scatter [tilespmem:s6], [sflag:$0x1], $0x80, $0x38;
	[tilespmem:$0xA300] =	vst v63  }
0x12e: {  	_ =	swait.ge [sflag:s31], $0x80  }
0x12f: {  	[sflag:s31] =	ssyncset.done $0x0  }
0x130: {  	[sflag:s31] =	ssyncadd.s32 $0xFFFFFF80  }
0x131: {  	[hbm4b:s16+s5] =	stream.linear.scatter [tilespmem:s3], [sflag:$0x1], $0x80, $0x38;
	[tilespmem:$0xA300] =	vst v63  }
0x132: {  	_ =	swait.ge [sflag:s31], $0x80  }
0x133: {  	[sflag:s31] =	ssyncset.done $0x0  }
.Ltmp19:
0x134: {  	[sflag:s31] =	ssyncadd.s32 $0xFFFFFF80;
	(pc) =	sbr.rel .LBB2_33-.Ltmp19, $4  }
0x135: {  	[hbm4b:s29+s5] =	stream.linear.scatter [tilespmem:s6], [sflag:$0x1], $0x80, $0x38;
	[tilespmem:$0xA300] =	vst v63  }
0x136: {  	_ =	swait.ge [sflag:s31], $0x80  }
0x137: {  	[sflag:s31] =	ssyncset.done $0x0  }
0x138: {  	s0 =	stileid.u32;
	[sflag:s31] =	ssyncadd.s32 $0xFFFFFF80  }
.LBB2_34:
0x139: {  	_ =	sfence.sel $0x180000  }
0x13a: {  	[bflag:$0x0] =	sbarrier.arrive $0xFFFF  }
0x13b: {  	_ =	strace $0x90000047  }
0x13c: {  	[bflag:$0x2] =	sbarrier.arrive $0xFFFF  }
0x13d: {  	p0 =	sne.s32 s0, $0x0;
	s0 =	rddreg [dreg:$0x5]  }
0x13e: {  	s0 =	sadd.s32 @!p0 $0x100000, s0  }
0x13f: {  	[sflag:s0] =	ssyncadd.tile.s32 @!p0 $0x1;
	_ =	shalt  }
.Lfunc_end2:
_tile_overlayer_lowered:
.L_overlay_start_2:
0x140: {  	(tag) =	ssettag $0x2  }
0x141: {  	s0 =	rddreg [dreg:$0x0];
	s2 =	stileid.u32  }
0x142: {  	s1 =	rddreg [dreg:$0x1];
	p0 =	sne.s32 s2, $0x0  }
0x143: {  	s3 =	rddreg [dreg:$0x2];
	[bflag:$0x3] =	sbarrier.arrive $0xFFFF;
	s2 =	simm.s32 @!p0 $0x1C01  }
0x144: {  	[timem:s3], [sflag:s2] =	dma.local @!p0 [hbm:s0], s1  }
0x145: {  	s0 =	simm.s32 @!p0 $0x1  }
0x146: {  	_ =	swait.ge @!p0 [sflag:s0], s1  }
0x147: {  	s1 =	ssub.s32 @!p0 $0x0, s1;
	[sflag:s0] =	ssyncset.done @!p0 $0x0  }
0x148: {  	[sflag:s0] =	ssyncadd.s32 @!p0 s1  }
0x149: {  	[bflag:$0x3] =	sbarrier.arrive $0xFFFF  }
0x14a: {  	_ =	shalt  }

</sc_bundles>
